<compile_context>
chip_gen: v7x
topology: tpu7x:2x2x1
jax: 0.10.2.dev20260603
libtpu: 0.0.44.dev20260713+nightly
codegen_flags: <defaults>
</compile_context>

<pallas_src>
import functools

import jax
import jax.numpy as jnp
from jax import lax
from jax.experimental import pallas as pl
from jax.experimental.pallas import tpu as pltpu
from jax.experimental.pallas import tpu_sc as plsc

N = 10000
NP = 10240
E = 320000
F_IN = 128
F_HID = 128
F_OUT = 64

NC = 2
NS = 16
NW = NC * NS
EPT = E // NW
CHUNK = 80
NCHUNK = EPT // CHUNK
RPT = NP // NS
ROWS_N = N // NS

BLK = 1024
GRID = 10

_mesh = plsc.VectorSubcoreMesh(
    core_axis_name="c", subcore_axis_name="s", num_cores=NC, num_subcores=NS
)


def _zero_rows(rows_v, nrow, width):
    zero16 = jnp.zeros((16,), jnp.float32)

    def body(r, carry):
        for c in range(width // 16):
            rows_v[r, pl.ds(c * 16, 16)] = zero16
        return carry

    lax.fori_loop(0, nrow, body, 0)


@functools.partial(
    pl.kernel,
    out_type=jax.ShapeDtypeStruct((NC, NP, 16), jnp.float32),
    mesh=_mesh,
    scratch_types=[
        pltpu.VMEM((NCHUNK, CHUNK), jnp.int32),
        pltpu.VMEM((CHUNK, 16), jnp.float32),
        pltpu.VMEM_SHARED((NP, 16), jnp.float32),
    ],
)
def _deg_kernel(dst4_hbm, deg_out, dst_blk, vals_v, acc_sh):
    cid = lax.axis_index("c")
    sid = lax.axis_index("s")

    _zero_rows(vals_v, CHUNK, 16)
    for k in range(RPT // CHUNK):
        pltpu.sync_copy(vals_v, acc_sh.at[pl.ds(sid * RPT + k * CHUNK, CHUNK)])

    one16 = jnp.ones((16,), jnp.float32)

    def ones_body(r, carry):
        vals_v[r, :] = one16
        return carry

    lax.fori_loop(0, CHUNK, ones_body, 0)
    plsc.subcore_barrier()

    pltpu.sync_copy(dst4_hbm.at[cid, sid], dst_blk)

    def chunk_body(j, carry):
        pltpu.sync_copy(vals_v, acc_sh.at[dst_blk.at[j]], add=True)
        return carry

    lax.fori_loop(0, NCHUNK, chunk_body, 0)

    plsc.subcore_barrier()
    pltpu.sync_copy(
        acc_sh.at[pl.ds(sid * RPT, RPT)], deg_out.at[cid, pl.ds(sid * RPT, RPT)]
    )


def _make_agg_kernel(F):
    @functools.partial(
        pl.kernel,
        out_type=jax.ShapeDtypeStruct((NC, NP, F), jnp.float32),
        mesh=_mesh,
        scratch_types=[
            pltpu.VMEM((NCHUNK, CHUNK), jnp.int32),
            pltpu.VMEM((NCHUNK, CHUNK), jnp.int32),
            pltpu.VMEM((CHUNK, F), jnp.float32),
            pltpu.VMEM_SHARED((NP, F), jnp.float32),
        ],
    )
    def agg(
        src4_hbm, dst4_hbm, g_hbm, out_hbm,
        src_blk, dst_blk, rows_a, acc_sh,
    ):
        cid = lax.axis_index("c")
        sid = lax.axis_index("s")

        _zero_rows(rows_a, CHUNK, F)
        for k in range(RPT // CHUNK):
            pltpu.sync_copy(
                rows_a, acc_sh.at[pl.ds(sid * RPT + k * CHUNK, CHUNK)]
            )
        plsc.subcore_barrier()

        pltpu.sync_copy(src4_hbm.at[cid, sid], src_blk)
        pltpu.sync_copy(dst4_hbm.at[cid, sid], dst_blk)

        def chunk_body(j, carry):
            pltpu.sync_copy(g_hbm.at[src_blk.at[j]], rows_a)
            pltpu.sync_copy(rows_a, acc_sh.at[dst_blk.at[j]], add=True)
            return carry

        lax.fori_loop(0, NCHUNK, chunk_body, 0)

        plsc.subcore_barrier()
        pltpu.sync_copy(
            acc_sh.at[pl.ds(sid * RPT, RPT)],
            out_hbm.at[cid, pl.ds(sid * RPT, RPT)],
        )

    return agg


_agg128 = _make_agg_kernel(F_HID)


def _mm1_body(x_ref, w_ref, o_ref):
    o_ref[...] = jnp.dot(x_ref[...], w_ref[...], preferred_element_type=jnp.float32)


def _scale_body(h_ref, d0_ref, d1_ref, o_ref):
    dinv = lax.rsqrt(d0_ref[...] + d1_ref[...] + 1.0)
    o_ref[...] = dinv * h_ref[...]


def _mid_body(s_ref, g_ref, d0_ref, d1_ref, b1_ref, o_ref):
    dinv = lax.rsqrt(d0_ref[...] + d1_ref[...] + 1.0)
    a1 = dinv * (s_ref[0] + s_ref[1] + g_ref[...]) + b1_ref[...]
    o_ref[...] = dinv * jnp.maximum(a1, 0.0)


def _final_body(s_ref, p_ref, d0_ref, d1_ref, w2_ref, b2_ref, o_ref):
    dinv = lax.rsqrt(d0_ref[...] + d1_ref[...] + 1.0)
    t = s_ref[0] + s_ref[1] + p_ref[...]
    o_ref[...] = (
        dinv * jnp.dot(t, w2_ref[...], preferred_element_type=jnp.float32)
        + b2_ref[...]
    )


def kernel(x, edge_index, W1, b1, W2, b2):
    src4 = edge_index[0].reshape(NC, NS, NCHUNK, CHUNK)
    dst4 = edge_index[1].reshape(NC, NS, NCHUNK, CHUNK)

    deg_parts = _deg_kernel(dst4)
    d0 = deg_parts[0, :N, 0:1]
    d1 = deg_parts[1, :N, 0:1]

    h1 = pl.pallas_call(
        _mm1_body,
        grid=(GRID,),
        in_specs=[
            pl.BlockSpec((BLK, F_IN), lambda i: (i, 0)),
            pl.BlockSpec((F_IN, F_HID), lambda i: (0, 0)),
        ],
        out_specs=pl.BlockSpec((BLK, F_HID), lambda i: (i, 0)),
        out_shape=jax.ShapeDtypeStruct((N, F_HID), jnp.float32),
    )(x, W1)

    g1 = pl.pallas_call(
        _scale_body,
        grid=(GRID,),
        in_specs=[
            pl.BlockSpec((BLK, F_HID), lambda i: (i, 0)),
            pl.BlockSpec((BLK, 1), lambda i: (i, 0)),
            pl.BlockSpec((BLK, 1), lambda i: (i, 0)),
        ],
        out_specs=pl.BlockSpec((BLK, F_HID), lambda i: (i, 0)),
        out_shape=jax.ShapeDtypeStruct((N, F_HID), jnp.float32),
    )(h1, d0, d1)

    s1 = _agg128(src4, dst4, g1)

    p = pl.pallas_call(
        _mid_body,
        grid=(GRID,),
        in_specs=[
            pl.BlockSpec((NC, BLK, F_HID), lambda i: (0, i, 0)),
            pl.BlockSpec((BLK, F_HID), lambda i: (i, 0)),
            pl.BlockSpec((BLK, 1), lambda i: (i, 0)),
            pl.BlockSpec((BLK, 1), lambda i: (i, 0)),
            pl.BlockSpec((F_HID,), lambda i: (0,)),
        ],
        out_specs=pl.BlockSpec((BLK, F_HID), lambda i: (i, 0)),
        out_shape=jax.ShapeDtypeStruct((N, F_HID), jnp.float32),
    )(s1, g1, d0, d1, b1)

    s2 = _agg128(src4, dst4, p)

    out = pl.pallas_call(
        _final_body,
        grid=(GRID,),
        in_specs=[
            pl.BlockSpec((NC, BLK, F_HID), lambda i: (0, i, 0)),
            pl.BlockSpec((BLK, F_HID), lambda i: (i, 0)),
            pl.BlockSpec((BLK, 1), lambda i: (i, 0)),
            pl.BlockSpec((BLK, 1), lambda i: (i, 0)),
            pl.BlockSpec((F_HID, F_OUT), lambda i: (0, 0)),
            pl.BlockSpec((F_OUT,), lambda i: (0,)),
        ],
        out_specs=pl.BlockSpec((BLK, F_OUT), lambda i: (i, 0)),
        out_shape=jax.ShapeDtypeStruct((N, F_OUT), jnp.float32),
    )(s2, p, d0, d1, W2, b2)

    return out

# --- scband reference (transcript-rebuilt; emitter-appended) ---
"""Pipeline reference for scband-gcn-11793980195193 (READ-ONLY COPY).

The authoritative reference and input builder live on the scoring server;
editing this copy changes nothing except your own understanding.
"""

import jax, jax.numpy as jnp
import numpy as np

N = 10000
E = 320000
F_IN = 128
F_HID = 128
F_OUT = 64


def setup_inputs(seed: int = 0) -> dict:
    key = jax.random.key(seed)
    k1, k2, k3, k4 = jax.random.split(key, 4)
    x = jax.random.normal(k1, (N, F_IN), dtype=jnp.float32)
    edge_index = jax.random.randint(k2, (2, E), 0, N, dtype=jnp.int32)
    W1 = jax.random.normal(k3, (F_IN, F_HID), dtype=jnp.float32) * (1.0 / np.sqrt(F_IN))
    b1 = jnp.zeros((F_HID,), dtype=jnp.float32)
    W2 = jax.random.normal(k4, (F_HID, F_OUT), dtype=jnp.float32) * (1.0 / np.sqrt(F_HID))
    b2 = jnp.zeros((F_OUT,), dtype=jnp.float32)
    return {"x": x, "edge_index": edge_index, "W1": W1, "b1": b1, "W2": W2, "b2": b2}


def _gcn_norm(edge_index, num_nodes):
    # add self-loops
    loop = jnp.arange(num_nodes, dtype=edge_index.dtype)
    src = jnp.concatenate([edge_index[0], loop])
    dst = jnp.concatenate([edge_index[1], loop])
    # symmetric normalization D^{-1/2} (A+I) D^{-1/2}
    deg = jnp.zeros((num_nodes,), dtype=jnp.float32).at[dst].add(1.0)
    dinv = jax.lax.rsqrt(deg)
    norm = dinv[src] * dinv[dst]
    return src, dst, norm


def _gcn_conv(h, src, dst, norm, W, b, num_nodes):
    h = h @ W
    msg = h[src] * norm[:, None]
    out = jax.ops.segment_sum(msg, dst, num_segments=num_nodes)
    return out + b


def reference(x, edge_index, W1, b1, W2, b2):
    # eval mode: torch.dropout with training=False is identity
    num_nodes = x.shape[0]
    src, dst, norm = _gcn_norm(edge_index, num_nodes)
    h = _gcn_conv(x, src, dst, norm, W1, b1, num_nodes)
    h = jax.nn.relu(h)
    out = _gcn_conv(h, src, dst, norm, W2, b2, num_nodes)
    return out

if __name__ == "__main__":
    import jax
    _d = setup_inputs()
    print(jax.jit(kernel)(*tuple(_d.values())))

</pallas_src>

<mosaic_0001>
#map = affine_map<(d0, d1) -> (0, 0, 0, 0)>
#map1 = affine_map<(d0, d1) -> (0, 0)>
#map2 = affine_map<(d0, d1) -> (0, 0, 0)>
module attributes {stable_mosaic.version = 14 : i64} {
  func.func @agg(%arg0: i32, %arg1: i32, %arg2: memref<2x16x125x80xi32, #tpu.memory_space<hbm>>, %arg3: memref<2x16x125x80xi32, #tpu.memory_space<hbm>>, %arg4: memref<10000x128xf32, #tpu.memory_space<hbm>>, %arg5: memref<2x10240x128xf32, #tpu.memory_space<hbm>>, %arg6: memref<125x80xi32, #tpu.memory_space<vmem>>, %arg7: memref<125x80xi32, #tpu.memory_space<vmem>>, %arg8: memref<80x128xf32, #tpu.memory_space<vmem>>, %arg9: memref<10240x128xf32, #tpu.memory_space<vmem_shared>>) attributes {dimension_semantics = [#tpu.dimension_semantics<core_parallel>, #tpu.dimension_semantics<subcore_parallel>], iteration_bounds = array<i64: 2, 16>, scalar_prefetch = 0 : i64, scratch_operands = 4 : i64, tpu.core_type = #tpu.core_type<sc_vector_subcore>, window_params = [{transform_indices = #map}, {transform_indices = #map}, {transform_indices = #map1}, {transform_indices = #map2}]} {
    %broadcast_in_dim3A = arith.constant 0.000000e+00 : f32
    %broadcast_in_dim3A_0 = vector.broadcast %broadcast_in_dim3A : f32 to vector<16xf32>
    %scan3A = arith.constant 0 : i32
    %scan3A_1 = arith.constant 0 : i32
    %scan3A_2 = arith.constant 80 : i32
    %scan3A_3 = arith.addi %scan3A_1, %scan3A_2 : i32
    %scan3A_4 = arith.constant 1 : i32
    scf.for %scan3A_47 = %scan3A_1 to %scan3A_3 step %scan3A_4  : i32 {
      %swap3A = arith.index_cast %scan3A_47 : i32 to index
      %swap3A_48 = arith.constant 0 : index
      %swap3A_49 = tpu.vector_load %arg8[%swap3A, %swap3A_48] {strides = array<i32>} : memref<80x128xf32, #tpu.memory_space<vmem>>, vector<1x16xf32>,
      %swap3A_50 = vector.shape_cast %swap3A_49 : vector<1x16xf32> to vector<16xf32>
      %swap3A_51 = vector.shape_cast %broadcast_in_dim3A_0 : vector<16xf32> to vector<1x16xf32>
      tpu.vector_store %arg8[%swap3A, %swap3A_48], %swap3A_51 {strides = array<i32>} : memref<80x128xf32, #tpu.memory_space<vmem>>, vector<1x16xf32>,
      %swap3A_52 = arith.index_cast %scan3A_47 : i32 to index
      %swap3A_53 = arith.constant 16 : index
      %swap3A_54 = tpu.vector_load %arg8[%swap3A_52, %swap3A_53] {strides = array<i32>} : memref<80x128xf32, #tpu.memory_space<vmem>>, vector<1x16xf32>,
      %swap3A_55 = vector.shape_cast %swap3A_54 : vector<1x16xf32> to vector<16xf32>
      %swap3A_56 = vector.shape_cast %broadcast_in_dim3A_0 : vector<16xf32> to vector<1x16xf32>
      tpu.vector_store %arg8[%swap3A_52, %swap3A_53], %swap3A_56 {strides = array<i32>} : memref<80x128xf32, #tpu.memory_space<vmem>>, vector<1x16xf32>,
      %swap3A_57 = arith.index_cast %scan3A_47 : i32 to index
      %swap3A_58 = arith.constant 32 : index
      %swap3A_59 = tpu.vector_load %arg8[%swap3A_57, %swap3A_58] {strides = array<i32>} : memref<80x128xf32, #tpu.memory_space<vmem>>, vector<1x16xf32>,
      %swap3A_60 = vector.shape_cast %swap3A_59 : vector<1x16xf32> to vector<16xf32>
      %swap3A_61 = vector.shape_cast %broadcast_in_dim3A_0 : vector<16xf32> to vector<1x16xf32>
      tpu.vector_store %arg8[%swap3A_57, %swap3A_58], %swap3A_61 {strides = array<i32>} : memref<80x128xf32, #tpu.memory_space<vmem>>, vector<1x16xf32>,
      %swap3A_62 = arith.index_cast %scan3A_47 : i32 to index
      %swap3A_63 = arith.constant 48 : index
      %swap3A_64 = tpu.vector_load %arg8[%swap3A_62, %swap3A_63] {strides = array<i32>} : memref<80x128xf32, #tpu.memory_space<vmem>>, vector<1x16xf32>,
      %swap3A_65 = vector.shape_cast %swap3A_64 : vector<1x16xf32> to vector<16xf32>
      %swap3A_66 = vector.shape_cast %broadcast_in_dim3A_0 : vector<16xf32> to vector<1x16xf32>
      tpu.vector_store %arg8[%swap3A_62, %swap3A_63], %swap3A_66 {strides = array<i32>} : memref<80x128xf32, #tpu.memory_space<vmem>>, vector<1x16xf32>,
      %swap3A_67 = arith.index_cast %scan3A_47 : i32 to index
      %swap3A_68 = arith.constant 64 : index
      %swap3A_69 = tpu.vector_load %arg8[%swap3A_67, %swap3A_68] {strides = array<i32>} : memref<80x128xf32, #tpu.memory_space<vmem>>, vector<1x16xf32>,
      %swap3A_70 = vector.shape_cast %swap3A_69 : vector<1x16xf32> to vector<16xf32>
      %swap3A_71 = vector.shape_cast %broadcast_in_dim3A_0 : vector<16xf32> to vector<1x16xf32>
      tpu.vector_store %arg8[%swap3A_67, %swap3A_68], %swap3A_71 {strides = array<i32>} : memref<80x128xf32, #tpu.memory_space<vmem>>, vector<1x16xf32>,
      %swap3A_72 = arith.index_cast %scan3A_47 : i32 to index
      %swap3A_73 = arith.constant 80 : index
      %swap3A_74 = tpu.vector_load %arg8[%swap3A_72, %swap3A_73] {strides = array<i32>} : memref<80x128xf32, #tpu.memory_space<vmem>>, vector<1x16xf32>,
      %swap3A_75 = vector.shape_cast %swap3A_74 : vector<1x16xf32> to vector<16xf32>
      %swap3A_76 = vector.shape_cast %broadcast_in_dim3A_0 : vector<16xf32> to vector<1x16xf32>
      tpu.vector_store %arg8[%swap3A_72, %swap3A_73], %swap3A_76 {strides = array<i32>} : memref<80x128xf32, #tpu.memory_space<vmem>>, vector<1x16xf32>,
      %swap3A_77 = arith.index_cast %scan3A_47 : i32 to index
      %swap3A_78 = arith.constant 96 : index
      %swap3A_79 = tpu.vector_load %arg8[%swap3A_77, %swap3A_78] {strides = array<i32>} : memref<80x128xf32, #tpu.memory_space<vmem>>, vector<1x16xf32>,
      %swap3A_80 = vector.shape_cast %swap3A_79 : vector<1x16xf32> to vector<16xf32>
      %swap3A_81 = vector.shape_cast %broadcast_in_dim3A_0 : vector<16xf32> to vector<1x16xf32>
      tpu.vector_store %arg8[%swap3A_77, %swap3A_78], %swap3A_81 {strides = array<i32>} : memref<80x128xf32, #tpu.memory_space<vmem>>, vector<1x16xf32>,
      %swap3A_82 = arith.index_cast %scan3A_47 : i32 to index
      %swap3A_83 = arith.constant 112 : index
      %swap3A_84 = tpu.vector_load %arg8[%swap3A_82, %swap3A_83] {strides = array<i32>} : memref<80x128xf32, #tpu.memory_space<vmem>>, vector<1x16xf32>,
      %swap3A_85 = vector.shape_cast %swap3A_84 : vector<1x16xf32> to vector<16xf32>
      %swap3A_86 = vector.shape_cast %broadcast_in_dim3A_0 : vector<16xf32> to vector<1x16xf32>
      tpu.vector_store %arg8[%swap3A_82, %swap3A_83], %swap3A_86 {strides = array<i32>} : memref<80x128xf32, #tpu.memory_space<vmem>>, vector<1x16xf32>,
    }
    %scan3A_5 = arith.constant 80 : i32
    %mul3A = arith.constant 640 : i32
    %mul3A_6 = arith.muli %arg1, %mul3A : i32
    %add3A = arith.constant 0 : i32
    %add3A_7 = arith.addi %mul3A_6, %add3A : i32
    "tpu.region"() ({
      %run_scoped3A = tpu.sem_alloc : memref<!tpu.dma_semaphore, #tpu.memory_space<semaphore_mem>>
      %dma_start3A = arith.constant 0 : i32
      %dma_start3A_47 = tpu.memref_slice %arg9[%add3A_7, %dma_start3A] : memref<10240x128xf32, #tpu.memory_space<vmem_shared>> -> memref<80x128xf32, #tpu.memory_space<vmem_shared>>
      %dma_start3A_48 = arith.constant 0 : i32
      %dma_start3A_49 = tpu.memref_slice %arg9[%add3A_7, %dma_start3A_48] : memref<10240x128xf32, #tpu.memory_space<vmem_shared>> -> memref<80x128xf32, #tpu.memory_space<vmem_shared>>
      tpu.enqueue_dma source(%arg8 : memref<80x128xf32, #tpu.memory_space<vmem>>) target(%dma_start3A_49 : memref<80x128xf32, #tpu.memory_space<vmem_shared>>) target_semaphore(%run_scoped3A : memref<!tpu.dma_semaphore, #tpu.memory_space<semaphore_mem>>)
      %dma_wait3A = arith.constant 0 : i32
      %dma_wait3A_50 = tpu.memref_slice %arg9[%add3A_7, %dma_wait3A] : memref<10240x128xf32, #tpu.memory_space<vmem_shared>> -> memref<80x128xf32, #tpu.memory_space<vmem_shared>>
      %dma_wait3A_51 = arith.constant 0 : i32
      %dma_wait3A_52 = tpu.memref_slice %arg9[%add3A_7, %dma_wait3A_51] : memref<10240x128xf32, #tpu.memory_space<vmem_shared>> -> memref<80x128xf32, #tpu.memory_space<vmem_shared>>
      tpu.wait_dma2 semaphore(%run_scoped3A : memref<!tpu.dma_semaphore, #tpu.memory_space<semaphore_mem>>) src(%arg8 : memref<80x128xf32, #tpu.memory_space<vmem>>) dst(%dma_wait3A_52 : memref<80x128xf32, #tpu.memory_space<vmem_shared>>)
      tpu.yield
    }) : () -> ()
    %mul3A_8 = arith.constant 640 : i32
    %mul3A_9 = arith.muli %arg1, %mul3A_8 : i32
    %add3A_10 = arith.constant 80 : i32
    %add3A_11 = arith.addi %mul3A_9, %add3A_10 : i32
    "tpu.region"() ({
      %run_scoped3A = tpu.sem_alloc : memref<!tpu.dma_semaphore, #tpu.memory_space<semaphore_mem>>
      %dma_start3A = arith.constant 0 : i32
      %dma_start3A_47 = tpu.memref_slice %arg9[%add3A_11, %dma_start3A] : memref<10240x128xf32, #tpu.memory_space<vmem_shared>> -> memref<80x128xf32, #tpu.memory_space<vmem_shared>>
      %dma_start3A_48 = arith.constant 0 : i32
      %dma_start3A_49 = tpu.memref_slice %arg9[%add3A_11, %dma_start3A_48] : memref<10240x128xf32, #tpu.memory_space<vmem_shared>> -> memref<80x128xf32, #tpu.memory_space<vmem_shared>>
      tpu.enqueue_dma source(%arg8 : memref<80x128xf32, #tpu.memory_space<vmem>>) target(%dma_start3A_49 : memref<80x128xf32, #tpu.memory_space<vmem_shared>>) target_semaphore(%run_scoped3A : memref<!tpu.dma_semaphore, #tpu.memory_space<semaphore_mem>>)
      %dma_wait3A = arith.constant 0 : i32
      %dma_wait3A_50 = tpu.memref_slice %arg9[%add3A_11, %dma_wait3A] : memref<10240x128xf32, #tpu.memory_space<vmem_shared>> -> memref<80x128xf32, #tpu.memory_space<vmem_shared>>
      %dma_wait3A_51 = arith.constant 0 : i32
      %dma_wait3A_52 = tpu.memref_slice %arg9[%add3A_11, %dma_wait3A_51] : memref<10240x128xf32, #tpu.memory_space<vmem_shared>> -> memref<80x128xf32, #tpu.memory_space<vmem_shared>>
      tpu.wait_dma2 semaphore(%run_scoped3A : memref<!tpu.dma_semaphore, #tpu.memory_space<semaphore_mem>>) src(%arg8 : memref<80x128xf32, #tpu.memory_space<vmem>>) dst(%dma_wait3A_52 : memref<80x128xf32, #tpu.memory_space<vmem_shared>>)
      tpu.yield
    }) : () -> ()
    %mul3A_12 = arith.constant 640 : i32
    %mul3A_13 = arith.muli %arg1, %mul3A_12 : i32
    %add3A_14 = arith.constant 160 : i32
    %add3A_15 = arith.addi %mul3A_13, %add3A_14 : i32
    "tpu.region"() ({
      %run_scoped3A = tpu.sem_alloc : memref<!tpu.dma_semaphore, #tpu.memory_space<semaphore_mem>>
      %dma_start3A = arith.constant 0 : i32
      %dma_start3A_47 = tpu.memref_slice %arg9[%add3A_15, %dma_start3A] : memref<10240x128xf32, #tpu.memory_space<vmem_shared>> -> memref<80x128xf32, #tpu.memory_space<vmem_shared>>
      %dma_start3A_48 = arith.constant 0 : i32
      %dma_start3A_49 = tpu.memref_slice %arg9[%add3A_15, %dma_start3A_48] : memref<10240x128xf32, #tpu.memory_space<vmem_shared>> -> memref<80x128xf32, #tpu.memory_space<vmem_shared>>
      tpu.enqueue_dma source(%arg8 : memref<80x128xf32, #tpu.memory_space<vmem>>) target(%dma_start3A_49 : memref<80x128xf32, #tpu.memory_space<vmem_shared>>) target_semaphore(%run_scoped3A : memref<!tpu.dma_semaphore, #tpu.memory_space<semaphore_mem>>)
      %dma_wait3A = arith.constant 0 : i32
      %dma_wait3A_50 = tpu.memref_slice %arg9[%add3A_15, %dma_wait3A] : memref<10240x128xf32, #tpu.memory_space<vmem_shared>> -> memref<80x128xf32, #tpu.memory_space<vmem_shared>>
      %dma_wait3A_51 = arith.constant 0 : i32
      %dma_wait3A_52 = tpu.memref_slice %arg9[%add3A_15, %dma_wait3A_51] : memref<10240x128xf32, #tpu.memory_space<vmem_shared>> -> memref<80x128xf32, #tpu.memory_space<vmem_shared>>
      tpu.wait_dma2 semaphore(%run_scoped3A : memref<!tpu.dma_semaphore, #tpu.memory_space<semaphore_mem>>) src(%arg8 : memref<80x128xf32, #tpu.memory_space<vmem>>) dst(%dma_wait3A_52 : memref<80x128xf32, #tpu.memory_space<vmem_shared>>)
      tpu.yield
    }) : () -> ()
    %mul3A_16 = arith.constant 640 : i32
    %mul3A_17 = arith.muli %arg1, %mul3A_16 : i32
    %add3A_18 = arith.constant 240 : i32
    %add3A_19 = arith.addi %mul3A_17, %add3A_18 : i32
    "tpu.region"() ({
      %run_scoped3A = tpu.sem_alloc : memref<!tpu.dma_semaphore, #tpu.memory_space<semaphore_mem>>
      %dma_start3A = arith.constant 0 : i32
      %dma_start3A_47 = tpu.memref_slice %arg9[%add3A_19, %dma_start3A] : memref<10240x128xf32, #tpu.memory_space<vmem_shared>> -> memref<80x128xf32, #tpu.memory_space<vmem_shared>>
      %dma_start3A_48 = arith.constant 0 : i32
      %dma_start3A_49 = tpu.memref_slice %arg9[%add3A_19, %dma_start3A_48] : memref<10240x128xf32, #tpu.memory_space<vmem_shared>> -> memref<80x128xf32, #tpu.memory_space<vmem_shared>>
      tpu.enqueue_dma source(%arg8 : memref<80x128xf32, #tpu.memory_space<vmem>>) target(%dma_start3A_49 : memref<80x128xf32, #tpu.memory_space<vmem_shared>>) target_semaphore(%run_scoped3A : memref<!tpu.dma_semaphore, #tpu.memory_space<semaphore_mem>>)
      %dma_wait3A = arith.constant 0 : i32
      %dma_wait3A_50 = tpu.memref_slice %arg9[%add3A_19, %dma_wait3A] : memref<10240x128xf32, #tpu.memory_space<vmem_shared>> -> memref<80x128xf32, #tpu.memory_space<vmem_shared>>
      %dma_wait3A_51 = arith.constant 0 : i32
      %dma_wait3A_52 = tpu.memref_slice %arg9[%add3A_19, %dma_wait3A_51] : memref<10240x128xf32, #tpu.memory_space<vmem_shared>> -> memref<80x128xf32, #tpu.memory_space<vmem_shared>>
      tpu.wait_dma2 semaphore(%run_scoped3A : memref<!tpu.dma_semaphore, #tpu.memory_space<semaphore_mem>>) src(%arg8 : memref<80x128xf32, #tpu.memory_space<vmem>>) dst(%dma_wait3A_52 : memref<80x128xf32, #tpu.memory_space<vmem_shared>>)
      tpu.yield
    }) : () -> ()
    %mul3A_20 = arith.constant 640 : i32
    %mul3A_21 = arith.muli %arg1, %mul3A_20 : i32
    %add3A_22 = arith.constant 320 : i32
    %add3A_23 = arith.addi %mul3A_21, %add3A_22 : i32
    "tpu.region"() ({
      %run_scoped3A = tpu.sem_alloc : memref<!tpu.dma_semaphore, #tpu.memory_space<semaphore_mem>>
      %dma_start3A = arith.constant 0 : i32
      %dma_start3A_47 = tpu.memref_slice %arg9[%add3A_23, %dma_start3A] : memref<10240x128xf32, #tpu.memory_space<vmem_shared>> -> memref<80x128xf32, #tpu.memory_space<vmem_shared>>
      %dma_start3A_48 = arith.constant 0 : i32
      %dma_start3A_49 = tpu.memref_slice %arg9[%add3A_23, %dma_start3A_48] : memref<10240x128xf32, #tpu.memory_space<vmem_shared>> -> memref<80x128xf32, #tpu.memory_space<vmem_shared>>
      tpu.enqueue_dma source(%arg8 : memref<80x128xf32, #tpu.memory_space<vmem>>) target(%dma_start3A_49 : memref<80x128xf32, #tpu.memory_space<vmem_shared>>) target_semaphore(%run_scoped3A : memref<!tpu.dma_semaphore, #tpu.memory_space<semaphore_mem>>)
      %dma_wait3A = arith.constant 0 : i32
      %dma_wait3A_50 = tpu.memref_slice %arg9[%add3A_23, %dma_wait3A] : memref<10240x128xf32, #tpu.memory_space<vmem_shared>> -> memref<80x128xf32, #tpu.memory_space<vmem_shared>>
      %dma_wait3A_51 = arith.constant 0 : i32
      %dma_wait3A_52 = tpu.memref_slice %arg9[%add3A_23, %dma_wait3A_51] : memref<10240x128xf32, #tpu.memory_space<vmem_shared>> -> memref<80x128xf32, #tpu.memory_space<vmem_shared>>
      tpu.wait_dma2 semaphore(%run_scoped3A : memref<!tpu.dma_semaphore, #tpu.memory_space<semaphore_mem>>) src(%arg8 : memref<80x128xf32, #tpu.memory_space<vmem>>) dst(%dma_wait3A_52 : memref<80x128xf32, #tpu.memory_space<vmem_shared>>)
      tpu.yield
    }) : () -> ()
    %mul3A_24 = arith.constant 640 : i32
    %mul3A_25 = arith.muli %arg1, %mul3A_24 : i32
    %add3A_26 = arith.constant 400 : i32
    %add3A_27 = arith.addi %mul3A_25, %add3A_26 : i32
    "tpu.region"() ({
      %run_scoped3A = tpu.sem_alloc : memref<!tpu.dma_semaphore, #tpu.memory_space<semaphore_mem>>
      %dma_start3A = arith.constant 0 : i32
      %dma_start3A_47 = tpu.memref_slice %arg9[%add3A_27, %dma_start3A] : memref<10240x128xf32, #tpu.memory_space<vmem_shared>> -> memref<80x128xf32, #tpu.memory_space<vmem_shared>>
      %dma_start3A_48 = arith.constant 0 : i32
      %dma_start3A_49 = tpu.memref_slice %arg9[%add3A_27, %dma_start3A_48] : memref<10240x128xf32, #tpu.memory_space<vmem_shared>> -> memref<80x128xf32, #tpu.memory_space<vmem_shared>>
      tpu.enqueue_dma source(%arg8 : memref<80x128xf32, #tpu.memory_space<vmem>>) target(%dma_start3A_49 : memref<80x128xf32, #tpu.memory_space<vmem_shared>>) target_semaphore(%run_scoped3A : memref<!tpu.dma_semaphore, #tpu.memory_space<semaphore_mem>>)
      %dma_wait3A = arith.constant 0 : i32
      %dma_wait3A_50 = tpu.memref_slice %arg9[%add3A_27, %dma_wait3A] : memref<10240x128xf32, #tpu.memory_space<vmem_shared>> -> memref<80x128xf32, #tpu.memory_space<vmem_shared>>
      %dma_wait3A_51 = arith.constant 0 : i32
      %dma_wait3A_52 = tpu.memref_slice %arg9[%add3A_27, %dma_wait3A_51] : memref<10240x128xf32, #tpu.memory_space<vmem_shared>> -> memref<80x128xf32, #tpu.memory_space<vmem_shared>>
      tpu.wait_dma2 semaphore(%run_scoped3A : memref<!tpu.dma_semaphore, #tpu.memory_space<semaphore_mem>>) src(%arg8 : memref<80x128xf32, #tpu.memory_space<vmem>>) dst(%dma_wait3A_52 : memref<80x128xf32, #tpu.memory_space<vmem_shared>>)
      tpu.yield
    }) : () -> ()
    %mul3A_28 = arith.constant 640 : i32
    %mul3A_29 = arith.muli %arg1, %mul3A_28 : i32
    %add3A_30 = arith.constant 480 : i32
    %add3A_31 = arith.addi %mul3A_29, %add3A_30 : i32
    "tpu.region"() ({
      %run_scoped3A = tpu.sem_alloc : memref<!tpu.dma_semaphore, #tpu.memory_space<semaphore_mem>>
      %dma_start3A = arith.constant 0 : i32
      %dma_start3A_47 = tpu.memref_slice %arg9[%add3A_31, %dma_start3A] : memref<10240x128xf32, #tpu.memory_space<vmem_shared>> -> memref<80x128xf32, #tpu.memory_space<vmem_shared>>
      %dma_start3A_48 = arith.constant 0 : i32
      %dma_start3A_49 = tpu.memref_slice %arg9[%add3A_31, %dma_start3A_48] : memref<10240x128xf32, #tpu.memory_space<vmem_shared>> -> memref<80x128xf32, #tpu.memory_space<vmem_shared>>
      tpu.enqueue_dma source(%arg8 : memref<80x128xf32, #tpu.memory_space<vmem>>) target(%dma_start3A_49 : memref<80x128xf32, #tpu.memory_space<vmem_shared>>) target_semaphore(%run_scoped3A : memref<!tpu.dma_semaphore, #tpu.memory_space<semaphore_mem>>)
      %dma_wait3A = arith.constant 0 : i32
      %dma_wait3A_50 = tpu.memref_slice %arg9[%add3A_31, %dma_wait3A] : memref<10240x128xf32, #tpu.memory_space<vmem_shared>> -> memref<80x128xf32, #tpu.memory_space<vmem_shared>>
      %dma_wait3A_51 = arith.constant 0 : i32
      %dma_wait3A_52 = tpu.memref_slice %arg9[%add3A_31, %dma_wait3A_51] : memref<10240x128xf32, #tpu.memory_space<vmem_shared>> -> memref<80x128xf32, #tpu.memory_space<vmem_shared>>
      tpu.wait_dma2 semaphore(%run_scoped3A : memref<!tpu.dma_semaphore, #tpu.memory_space<semaphore_mem>>) src(%arg8 : memref<80x128xf32, #tpu.memory_space<vmem>>) dst(%dma_wait3A_52 : memref<80x128xf32, #tpu.memory_space<vmem_shared>>)
      tpu.yield
    }) : () -> ()
    %mul3A_32 = arith.constant 640 : i32
    %mul3A_33 = arith.muli %arg1, %mul3A_32 : i32
    %add3A_34 = arith.constant 560 : i32
    %add3A_35 = arith.addi %mul3A_33, %add3A_34 : i32
    "tpu.region"() ({
      %run_scoped3A = tpu.sem_alloc : memref<!tpu.dma_semaphore, #tpu.memory_space<semaphore_mem>>
      %dma_start3A = arith.constant 0 : i32
      %dma_start3A_47 = tpu.memref_slice %arg9[%add3A_35, %dma_start3A] : memref<10240x128xf32, #tpu.memory_space<vmem_shared>> -> memref<80x128xf32, #tpu.memory_space<vmem_shared>>
      %dma_start3A_48 = arith.constant 0 : i32
      %dma_start3A_49 = tpu.memref_slice %arg9[%add3A_35, %dma_start3A_48] : memref<10240x128xf32, #tpu.memory_space<vmem_shared>> -> memref<80x128xf32, #tpu.memory_space<vmem_shared>>
      tpu.enqueue_dma source(%arg8 : memref<80x128xf32, #tpu.memory_space<vmem>>) target(%dma_start3A_49 : memref<80x128xf32, #tpu.memory_space<vmem_shared>>) target_semaphore(%run_scoped3A : memref<!tpu.dma_semaphore, #tpu.memory_space<semaphore_mem>>)
      %dma_wait3A = arith.constant 0 : i32
      %dma_wait3A_50 = tpu.memref_slice %arg9[%add3A_35, %dma_wait3A] : memref<10240x128xf32, #tpu.memory_space<vmem_shared>> -> memref<80x128xf32, #tpu.memory_space<vmem_shared>>
      %dma_wait3A_51 = arith.constant 0 : i32
      %dma_wait3A_52 = tpu.memref_slice %arg9[%add3A_35, %dma_wait3A_51] : memref<10240x128xf32, #tpu.memory_space<vmem_shared>> -> memref<80x128xf32, #tpu.memory_space<vmem_shared>>
      tpu.wait_dma2 semaphore(%run_scoped3A : memref<!tpu.dma_semaphore, #tpu.memory_space<semaphore_mem>>) src(%arg8 : memref<80x128xf32, #tpu.memory_space<vmem>>) dst(%dma_wait3A_52 : memref<80x128xf32, #tpu.memory_space<vmem_shared>>)
      tpu.yield
    }) : () -> ()
    %barrier3A = arith.constant 0 : index
    tpu.barrier barrier_id(%barrier3A)
    "tpu.region"() ({
      %run_scoped3A = tpu.sem_alloc : memref<!tpu.dma_semaphore, #tpu.memory_space<semaphore_mem>>
      %dma_start3A = arith.constant 0 : i32
      %dma_start3A_47 = arith.constant 0 : i32
      %dma_start3A_48 = tpu.memref_slice %arg2[%arg0, %arg1, %dma_start3A, %dma_start3A_47] : memref<2x16x125x80xi32, #tpu.memory_space<hbm>> -> memref<1x1x125x80xi32, #tpu.memory_space<hbm>>
      %dma_start3A_49 = tpu.memref_squeeze %dma_start3A_48 : memref<1x1x125x80xi32, #tpu.memory_space<hbm>> -> memref<125x80xi32, #tpu.memory_space<hbm>>
      %dma_start3A_50 = arith.constant 0 : i32
      %dma_start3A_51 = arith.constant 0 : i32
      %dma_start3A_52 = tpu.memref_slice %arg2[%arg0, %arg1, %dma_start3A_50, %dma_start3A_51] : memref<2x16x125x80xi32, #tpu.memory_space<hbm>> -> memref<1x1x125x80xi32, #tpu.memory_space<hbm>>
      %dma_start3A_53 = tpu.memref_squeeze %dma_start3A_52 : memref<1x1x125x80xi32, #tpu.memory_space<hbm>> -> memref<125x80xi32, #tpu.memory_space<hbm>>
      tpu.enqueue_dma source(%dma_start3A_53 : memref<125x80xi32, #tpu.memory_space<hbm>>) target(%arg6 : memref<125x80xi32, #tpu.memory_space<vmem>>) target_semaphore(%run_scoped3A : memref<!tpu.dma_semaphore, #tpu.memory_space<semaphore_mem>>)
      %dma_wait3A = arith.constant 0 : i32
      %dma_wait3A_54 = arith.constant 0 : i32
      %dma_wait3A_55 = tpu.memref_slice %arg2[%arg0, %arg1, %dma_wait3A, %dma_wait3A_54] : memref<2x16x125x80xi32, #tpu.memory_space<hbm>> -> memref<1x1x125x80xi32, #tpu.memory_space<hbm>>
      %dma_wait3A_56 = tpu.memref_squeeze %dma_wait3A_55 : memref<1x1x125x80xi32, #tpu.memory_space<hbm>> -> memref<125x80xi32, #tpu.memory_space<hbm>>
      %dma_wait3A_57 = arith.constant 0 : i32
      %dma_wait3A_58 = arith.constant 0 : i32
      %dma_wait3A_59 = tpu.memref_slice %arg2[%arg0, %arg1, %dma_wait3A_57, %dma_wait3A_58] : memref<2x16x125x80xi32, #tpu.memory_space<hbm>> -> memref<1x1x125x80xi32, #tpu.memory_space<hbm>>
      %dma_wait3A_60 = tpu.memref_squeeze %dma_wait3A_59 : memref<1x1x125x80xi32, #tpu.memory_space<hbm>> -> memref<125x80xi32, #tpu.memory_space<hbm>>
      tpu.wait_dma2 semaphore(%run_scoped3A : memref<!tpu.dma_semaphore, #tpu.memory_space<semaphore_mem>>) src(%dma_wait3A_60 : memref<125x80xi32, #tpu.memory_space<hbm>>) dst(%arg6 : memref<125x80xi32, #tpu.memory_space<vmem>>)
      tpu.yield
    }) : () -> ()
    "tpu.region"() ({
      %run_scoped3A = tpu.sem_alloc : memref<!tpu.dma_semaphore, #tpu.memory_space<semaphore_mem>>
      %dma_start3A = arith.constant 0 : i32
      %dma_start3A_47 = arith.constant 0 : i32
      %dma_start3A_48 = tpu.memref_slice %arg3[%arg0, %arg1, %dma_start3A, %dma_start3A_47] : memref<2x16x125x80xi32, #tpu.memory_space<hbm>> -> memref<1x1x125x80xi32, #tpu.memory_space<hbm>>
      %dma_start3A_49 = tpu.memref_squeeze %dma_start3A_48 : memref<1x1x125x80xi32, #tpu.memory_space<hbm>> -> memref<125x80xi32, #tpu.memory_space<hbm>>
      %dma_start3A_50 = arith.constant 0 : i32
      %dma_start3A_51 = arith.constant 0 : i32
      %dma_start3A_52 = tpu.memref_slice %arg3[%arg0, %arg1, %dma_start3A_50, %dma_start3A_51] : memref<2x16x125x80xi32, #tpu.memory_space<hbm>> -> memref<1x1x125x80xi32, #tpu.memory_space<hbm>>
      %dma_start3A_53 = tpu.memref_squeeze %dma_start3A_52 : memref<1x1x125x80xi32, #tpu.memory_space<hbm>> -> memref<125x80xi32, #tpu.memory_space<hbm>>
      tpu.enqueue_dma source(%dma_start3A_53 : memref<125x80xi32, #tpu.memory_space<hbm>>) target(%arg7 : memref<125x80xi32, #tpu.memory_space<vmem>>) target_semaphore(%run_scoped3A : memref<!tpu.dma_semaphore, #tpu.memory_space<semaphore_mem>>)
      %dma_wait3A = arith.constant 0 : i32
      %dma_wait3A_54 = arith.constant 0 : i32
      %dma_wait3A_55 = tpu.memref_slice %arg3[%arg0, %arg1, %dma_wait3A, %dma_wait3A_54] : memref<2x16x125x80xi32, #tpu.memory_space<hbm>> -> memref<1x1x125x80xi32, #tpu.memory_space<hbm>>
      %dma_wait3A_56 = tpu.memref_squeeze %dma_wait3A_55 : memref<1x1x125x80xi32, #tpu.memory_space<hbm>> -> memref<125x80xi32, #tpu.memory_space<hbm>>
      %dma_wait3A_57 = arith.constant 0 : i32
      %dma_wait3A_58 = arith.constant 0 : i32
      %dma_wait3A_59 = tpu.memref_slice %arg3[%arg0, %arg1, %dma_wait3A_57, %dma_wait3A_58] : memref<2x16x125x80xi32, #tpu.memory_space<hbm>> -> memref<1x1x125x80xi32, #tpu.memory_space<hbm>>
      %dma_wait3A_60 = tpu.memref_squeeze %dma_wait3A_59 : memref<1x1x125x80xi32, #tpu.memory_space<hbm>> -> memref<125x80xi32, #tpu.memory_space<hbm>>
      tpu.wait_dma2 semaphore(%run_scoped3A : memref<!tpu.dma_semaphore, #tpu.memory_space<semaphore_mem>>) src(%dma_wait3A_60 : memref<125x80xi32, #tpu.memory_space<hbm>>) dst(%arg7 : memref<125x80xi32, #tpu.memory_space<vmem>>)
      tpu.yield
    }) : () -> ()
    %scan3A_36 = arith.constant 0 : i32
    %scan3A_37 = arith.constant 0 : i32
    %scan3A_38 = arith.constant 125 : i32
    %scan3A_39 = arith.addi %scan3A_37, %scan3A_38 : i32
    %scan3A_40 = arith.constant 1 : i32
    scf.for %scan3A_47 = %scan3A_37 to %scan3A_39 step %scan3A_40  : i32 {
      "tpu.region"() ({
        %run_scoped3A = tpu.sem_alloc : memref<!tpu.dma_semaphore, #tpu.memory_space<semaphore_mem>>
        %dma_start3A = arith.constant 0 : i32
        %dma_start3A_48 = tpu.memref_slice %arg6[%scan3A_47, %dma_start3A] : memref<125x80xi32, #tpu.memory_space<vmem>> -> memref<1x80xi32, #tpu.memory_space<vmem>>
        %dma_start3A_49 = tpu.memref_squeeze %dma_start3A_48 : memref<1x80xi32, #tpu.memory_space<vmem>> -> memref<80xi32, #tpu.memory_space<vmem>>
        %dma_start3A_50 = arith.constant 0 : i32
        %dma_start3A_51 = arith.constant 0 : i32
        %dma_start3A_52 = tpu.memref_slice %arg4[%dma_start3A_50, %dma_start3A_51] : memref<10000x128xf32, #tpu.memory_space<hbm>> -> memref<10000x128xf32, #tpu.memory_space<hbm>>
        tpu.enqueue_indirect_dma source(%dma_start3A_52 : memref<10000x128xf32, #tpu.memory_space<hbm>>) target(%arg8 : memref<80x128xf32, #tpu.memory_space<vmem>>) offsets(%dma_start3A_49 : memref<80xi32, #tpu.memory_space<vmem>>) semaphore(%run_scoped3A : memref<!tpu.dma_semaphore, #tpu.memory_space<semaphore_mem>>)
        %dma_wait3A = arith.constant 0 : i32
        %dma_wait3A_53 = tpu.memref_slice %arg6[%scan3A_47, %dma_wait3A] : memref<125x80xi32, #tpu.memory_space<vmem>> -> memref<1x80xi32, #tpu.memory_space<vmem>>
        %dma_wait3A_54 = tpu.memref_squeeze %dma_wait3A_53 : memref<1x80xi32, #tpu.memory_space<vmem>> -> memref<80xi32, #tpu.memory_space<vmem>>
        %dma_wait3A_55 = arith.constant 0 : i32
        %dma_wait3A_56 = arith.constant 0 : i32
        %dma_wait3A_57 = tpu.memref_slice %arg4[%dma_wait3A_55, %dma_wait3A_56] : memref<10000x128xf32, #tpu.memory_space<hbm>> -> memref<10000x128xf32, #tpu.memory_space<hbm>>
        tpu.wait_indirect_dma semaphore(%run_scoped3A : memref<!tpu.dma_semaphore, #tpu.memory_space<semaphore_mem>>) src(%dma_wait3A_57 : memref<10000x128xf32, #tpu.memory_space<hbm>>) dst(%arg8 : memref<80x128xf32, #tpu.memory_space<vmem>>)
        tpu.yield
      }) : () -> ()
      "tpu.region"() ({
        %run_scoped3A = tpu.sem_alloc : memref<!tpu.dma_semaphore, #tpu.memory_space<semaphore_mem>>
        %dma_start3A = arith.constant 0 : i32
        %dma_start3A_48 = tpu.memref_slice %arg7[%scan3A_47, %dma_start3A] : memref<125x80xi32, #tpu.memory_space<vmem>> -> memref<1x80xi32, #tpu.memory_space<vmem>>
        %dma_start3A_49 = tpu.memref_squeeze %dma_start3A_48 : memref<1x80xi32, #tpu.memory_space<vmem>> -> memref<80xi32, #tpu.memory_space<vmem>>
        %dma_start3A_50 = arith.constant 0 : i32
        %dma_start3A_51 = arith.constant 0 : i32
        %dma_start3A_52 = tpu.memref_slice %arg9[%dma_start3A_50, %dma_start3A_51] : memref<10240x128xf32, #tpu.memory_space<vmem_shared>> -> memref<10240x128xf32, #tpu.memory_space<vmem_shared>>
        tpu.enqueue_indirect_dma source(%arg8 : memref<80x128xf32, #tpu.memory_space<vmem>>) target(%dma_start3A_52 : memref<10240x128xf32, #tpu.memory_space<vmem_shared>>) offsets(%dma_start3A_49 : memref<80xi32, #tpu.memory_space<vmem>>) semaphore(%run_scoped3A : memref<!tpu.dma_semaphore, #tpu.memory_space<semaphore_mem>>) {add = true}
        %dma_wait3A = arith.constant 0 : i32
        %dma_wait3A_53 = tpu.memref_slice %arg7[%scan3A_47, %dma_wait3A] : memref<125x80xi32, #tpu.memory_space<vmem>> -> memref<1x80xi32, #tpu.memory_space<vmem>>
        %dma_wait3A_54 = tpu.memref_squeeze %dma_wait3A_53 : memref<1x80xi32, #tpu.memory_space<vmem>> -> memref<80xi32, #tpu.memory_space<vmem>>
        %dma_wait3A_55 = arith.constant 0 : i32
        %dma_wait3A_56 = arith.constant 0 : i32
        %dma_wait3A_57 = tpu.memref_slice %arg9[%dma_wait3A_55, %dma_wait3A_56] : memref<10240x128xf32, #tpu.memory_space<vmem_shared>> -> memref<10240x128xf32, #tpu.memory_space<vmem_shared>>
        tpu.wait_indirect_dma semaphore(%run_scoped3A : memref<!tpu.dma_semaphore, #tpu.memory_space<semaphore_mem>>) src(%arg8 : memref<80x128xf32, #tpu.memory_space<vmem>>) dst(%dma_wait3A_57 : memref<10240x128xf32, #tpu.memory_space<vmem_shared>>)
        tpu.yield
      }) : () -> ()
    }
    %scan3A_41 = arith.constant 125 : i32
    %barrier3A_42 = arith.constant 0 : index
    tpu.barrier barrier_id(%barrier3A_42)
    %mul3A_43 = arith.constant 640 : i32
    %mul3A_44 = arith.muli %arg1, %mul3A_43 : i32
    %mul3A_45 = arith.constant 640 : i32
    %mul3A_46 = arith.muli %arg1, %mul3A_45 : i32
    "tpu.region"() ({
      %run_scoped3A = tpu.sem_alloc : memref<!tpu.dma_semaphore, #tpu.memory_space<semaphore_mem>>
      %dma_start3A = arith.constant 0 : i32
      %dma_start3A_47 = tpu.memref_slice %arg5[%arg0, %mul3A_46, %dma_start3A] : memref<2x10240x128xf32, #tpu.memory_space<hbm>> -> memref<1x640x128xf32, #tpu.memory_space<hbm>>
      %dma_start3A_48 = tpu.memref_squeeze %dma_start3A_47 : memref<1x640x128xf32, #tpu.memory_space<hbm>> -> memref<640x128xf32, #tpu.memory_space<hbm>>
      %dma_start3A_49 = arith.constant 0 : i32
      %dma_start3A_50 = tpu.memref_slice %arg9[%mul3A_44, %dma_start3A_49] : memref<10240x128xf32, #tpu.memory_space<vmem_shared>> -> memref<640x128xf32, #tpu.memory_space<vmem_shared>>
      tpu.enqueue_dma source(%dma_start3A_50 : memref<640x128xf32, #tpu.memory_space<vmem_shared>>) target(%dma_start3A_48 : memref<640x128xf32, #tpu.memory_space<hbm>>) target_semaphore(%run_scoped3A : memref<!tpu.dma_semaphore, #tpu.memory_space<semaphore_mem>>)
      %dma_wait3A = arith.constant 0 : i32
      %dma_wait3A_51 = tpu.memref_slice %arg5[%arg0, %mul3A_46, %dma_wait3A] : memref<2x10240x128xf32, #tpu.memory_space<hbm>> -> memref<1x640x128xf32, #tpu.memory_space<hbm>>
      %dma_wait3A_52 = tpu.memref_squeeze %dma_wait3A_51 : memref<1x640x128xf32, #tpu.memory_space<hbm>> -> memref<640x128xf32, #tpu.memory_space<hbm>>
      %dma_wait3A_53 = arith.constant 0 : i32
      %dma_wait3A_54 = tpu.memref_slice %arg9[%mul3A_44, %dma_wait3A_53] : memref<10240x128xf32, #tpu.memory_space<vmem_shared>> -> memref<640x128xf32, #tpu.memory_space<vmem_shared>>
      tpu.wait_dma2 semaphore(%run_scoped3A : memref<!tpu.dma_semaphore, #tpu.memory_space<semaphore_mem>>) src(%dma_wait3A_54 : memref<640x128xf32, #tpu.memory_space<vmem_shared>>) dst(%dma_wait3A_52 : memref<640x128xf32, #tpu.memory_space<hbm>>)
      tpu.yield
    }) : () -> ()
    return
  }
}

#map = affine_map<(d0, d1) -> (0, 0, 0, 0)>
#map1 = affine_map<(d0, d1) -> (0, 0)>
#map2 = affine_map<(d0, d1) -> (0, 0, 0)>
module attributes {stable_mosaic.version = 14 : i64} {
  func.func @agg(%arg0: i32, %arg1: i32, %arg2: memref<2x16x125x80xi32, #tpu.memory_space<hbm>>, %arg3: memref<2x16x125x80xi32, #tpu.memory_space<hbm>>, %arg4: memref<10000x128xf32, #tpu.memory_space<hbm>>, %arg5: memref<2x10240x128xf32, #tpu.memory_space<hbm>>, %arg6: memref<125x80xi32, #tpu.memory_space<vmem>>, %arg7: memref<125x80xi32, #tpu.memory_space<vmem>>, %arg8: memref<80x128xf32, #tpu.memory_space<vmem>>, %arg9: memref<10240x128xf32, #tpu.memory_space<vmem_shared>>) attributes {dimension_semantics = [#tpu.dimension_semantics<core_parallel>, #tpu.dimension_semantics<subcore_parallel>], iteration_bounds = array<i64: 2, 16>, scalar_prefetch = 0 : i64, scratch_operands = 4 : i64, tpu.core_type = #tpu.core_type<sc_vector_subcore>, window_params = [{transform_indices = #map}, {transform_indices = #map}, {transform_indices = #map1}, {transform_indices = #map2}]} {
    %broadcast_in_dim3A = arith.constant 0.000000e+00 : f32
    %broadcast_in_dim3A_0 = vector.broadcast %broadcast_in_dim3A : f32 to vector<16xf32>
    %scan3A = arith.constant 0 : i32
    %scan3A_1 = arith.constant 0 : i32
    %scan3A_2 = arith.constant 80 : i32
    %scan3A_3 = arith.addi %scan3A_1, %scan3A_2 : i32
    %scan3A_4 = arith.constant 1 : i32
    scf.for %scan3A_47 = %scan3A_1 to %scan3A_3 step %scan3A_4  : i32 {
      %swap3A = arith.index_cast %scan3A_47 : i32 to index
      %swap3A_48 = arith.constant 0 : index
      %swap3A_49 = tpu.vector_load %arg8[%swap3A, %swap3A_48] {strides = array<i32>} : memref<80x128xf32, #tpu.memory_space<vmem>>, vector<1x16xf32>,
      %swap3A_50 = vector.shape_cast %swap3A_49 : vector<1x16xf32> to vector<16xf32>
      %swap3A_51 = vector.shape_cast %broadcast_in_dim3A_0 : vector<16xf32> to vector<1x16xf32>
      tpu.vector_store %arg8[%swap3A, %swap3A_48], %swap3A_51 {strides = array<i32>} : memref<80x128xf32, #tpu.memory_space<vmem>>, vector<1x16xf32>,
      %swap3A_52 = arith.index_cast %scan3A_47 : i32 to index
      %swap3A_53 = arith.constant 16 : index
      %swap3A_54 = tpu.vector_load %arg8[%swap3A_52, %swap3A_53] {strides = array<i32>} : memref<80x128xf32, #tpu.memory_space<vmem>>, vector<1x16xf32>,
      %swap3A_55 = vector.shape_cast %swap3A_54 : vector<1x16xf32> to vector<16xf32>
      %swap3A_56 = vector.shape_cast %broadcast_in_dim3A_0 : vector<16xf32> to vector<1x16xf32>
      tpu.vector_store %arg8[%swap3A_52, %swap3A_53], %swap3A_56 {strides = array<i32>} : memref<80x128xf32, #tpu.memory_space<vmem>>, vector<1x16xf32>,
      %swap3A_57 = arith.index_cast %scan3A_47 : i32 to index
      %swap3A_58 = arith.constant 32 : index
      %swap3A_59 = tpu.vector_load %arg8[%swap3A_57, %swap3A_58] {strides = array<i32>} : memref<80x128xf32, #tpu.memory_space<vmem>>, vector<1x16xf32>,
      %swap3A_60 = vector.shape_cast %swap3A_59 : vector<1x16xf32> to vector<16xf32>
      %swap3A_61 = vector.shape_cast %broadcast_in_dim3A_0 : vector<16xf32> to vector<1x16xf32>
      tpu.vector_store %arg8[%swap3A_57, %swap3A_58], %swap3A_61 {strides = array<i32>} : memref<80x128xf32, #tpu.memory_space<vmem>>, vector<1x16xf32>,
      %swap3A_62 = arith.index_cast %scan3A_47 : i32 to index
      %swap3A_63 = arith.constant 48 : index
      %swap3A_64 = tpu.vector_load %arg8[%swap3A_62, %swap3A_63] {strides = array<i32>} : memref<80x128xf32, #tpu.memory_space<vmem>>, vector<1x16xf32>,
      %swap3A_65 = vector.shape_cast %swap3A_64 : vector<1x16xf32> to vector<16xf32>
      %swap3A_66 = vector.shape_cast %broadcast_in_dim3A_0 : vector<16xf32> to vector<1x16xf32>
      tpu.vector_store %arg8[%swap3A_62, %swap3A_63], %swap3A_66 {strides = array<i32>} : memref<80x128xf32, #tpu.memory_space<vmem>>, vector<1x16xf32>,
      %swap3A_67 = arith.index_cast %scan3A_47 : i32 to index
      %swap3A_68 = arith.constant 64 : index
      %swap3A_69 = tpu.vector_load %arg8[%swap3A_67, %swap3A_68] {strides = array<i32>} : memref<80x128xf32, #tpu.memory_space<vmem>>, vector<1x16xf32>,
      %swap3A_70 = vector.shape_cast %swap3A_69 : vector<1x16xf32> to vector<16xf32>
      %swap3A_71 = vector.shape_cast %broadcast_in_dim3A_0 : vector<16xf32> to vector<1x16xf32>
      tpu.vector_store %arg8[%swap3A_67, %swap3A_68], %swap3A_71 {strides = array<i32>} : memref<80x128xf32, #tpu.memory_space<vmem>>, vector<1x16xf32>,
      %swap3A_72 = arith.index_cast %scan3A_47 : i32 to index
      %swap3A_73 = arith.constant 80 : index
      %swap3A_74 = tpu.vector_load %arg8[%swap3A_72, %swap3A_73] {strides = array<i32>} : memref<80x128xf32, #tpu.memory_space<vmem>>, vector<1x16xf32>,
      %swap3A_75 = vector.shape_cast %swap3A_74 : vector<1x16xf32> to vector<16xf32>
      %swap3A_76 = vector.shape_cast %broadcast_in_dim3A_0 : vector<16xf32> to vector<1x16xf32>
      tpu.vector_store %arg8[%swap3A_72, %swap3A_73], %swap3A_76 {strides = array<i32>} : memref<80x128xf32, #tpu.memory_space<vmem>>, vector<1x16xf32>,
      %swap3A_77 = arith.index_cast %scan3A_47 : i32 to index
      %swap3A_78 = arith.constant 96 : index
      %swap3A_79 = tpu.vector_load %arg8[%swap3A_77, %swap3A_78] {strides = array<i32>} : memref<80x128xf32, #tpu.memory_space<vmem>>, vector<1x16xf32>,
      %swap3A_80 = vector.shape_cast %swap3A_79 : vector<1x16xf32> to vector<16xf32>
      %swap3A_81 = vector.shape_cast %broadcast_in_dim3A_0 : vector<16xf32> to vector<1x16xf32>
      tpu.vector_store %arg8[%swap3A_77, %swap3A_78], %swap3A_81 {strides = array<i32>} : memref<80x128xf32, #tpu.memory_space<vmem>>, vector<1x16xf32>,
      %swap3A_82 = arith.index_cast %scan3A_47 : i32 to index
      %swap3A_83 = arith.constant 112 : index
      %swap3A_84 = tpu.vector_load %arg8[%swap3A_82, %swap3A_83] {strides = array<i32>} : memref<80x128xf32, #tpu.memory_space<vmem>>, vector<1x16xf32>,
      %swap3A_85 = vector.shape_cast %swap3A_84 : vector<1x16xf32> to vector<16xf32>
      %swap3A_86 = vector.shape_cast %broadcast_in_dim3A_0 : vector<16xf32> to vector<1x16xf32>
      tpu.vector_store %arg8[%swap3A_82, %swap3A_83], %swap3A_86 {strides = array<i32>} : memref<80x128xf32, #tpu.memory_space<vmem>>, vector<1x16xf32>,
    }
    %scan3A_5 = arith.constant 80 : i32
    %mul3A = arith.constant 640 : i32
    %mul3A_6 = arith.muli %arg1, %mul3A : i32
    %add3A = arith.constant 0 : i32
    %add3A_7 = arith.addi %mul3A_6, %add3A : i32
    "tpu.region"() ({
      %run_scoped3A = tpu.sem_alloc : memref<!tpu.dma_semaphore, #tpu.memory_space<semaphore_mem>>
      %dma_start3A = arith.constant 0 : i32
      %dma_start3A_47 = tpu.memref_slice %arg9[%add3A_7, %dma_start3A] : memref<10240x128xf32, #tpu.memory_space<vmem_shared>> -> memref<80x128xf32, #tpu.memory_space<vmem_shared>>
      %dma_start3A_48 = arith.constant 0 : i32
      %dma_start3A_49 = tpu.memref_slice %arg9[%add3A_7, %dma_start3A_48] : memref<10240x128xf32, #tpu.memory_space<vmem_shared>> -> memref<80x128xf32, #tpu.memory_space<vmem_shared>>
      tpu.enqueue_dma source(%arg8 : memref<80x128xf32, #tpu.memory_space<vmem>>) target(%dma_start3A_49 : memref<80x128xf32, #tpu.memory_space<vmem_shared>>) target_semaphore(%run_scoped3A : memref<!tpu.dma_semaphore, #tpu.memory_space<semaphore_mem>>)
      %dma_wait3A = arith.constant 0 : i32
      %dma_wait3A_50 = tpu.memref_slice %arg9[%add3A_7, %dma_wait3A] : memref<10240x128xf32, #tpu.memory_space<vmem_shared>> -> memref<80x128xf32, #tpu.memory_space<vmem_shared>>
      %dma_wait3A_51 = arith.constant 0 : i32
      %dma_wait3A_52 = tpu.memref_slice %arg9[%add3A_7, %dma_wait3A_51] : memref<10240x128xf32, #tpu.memory_space<vmem_shared>> -> memref<80x128xf32, #tpu.memory_space<vmem_shared>>
      tpu.wait_dma2 semaphore(%run_scoped3A : memref<!tpu.dma_semaphore, #tpu.memory_space<semaphore_mem>>) src(%arg8 : memref<80x128xf32, #tpu.memory_space<vmem>>) dst(%dma_wait3A_52 : memref<80x128xf32, #tpu.memory_space<vmem_shared>>)
      tpu.yield
    }) : () -> ()
    %mul3A_8 = arith.constant 640 : i32
    %mul3A_9 = arith.muli %arg1, %mul3A_8 : i32
    %add3A_10 = arith.constant 80 : i32
    %add3A_11 = arith.addi %mul3A_9, %add3A_10 : i32
    "tpu.region"() ({
      %run_scoped3A = tpu.sem_alloc : memref<!tpu.dma_semaphore, #tpu.memory_space<semaphore_mem>>
      %dma_start3A = arith.constant 0 : i32
      %dma_start3A_47 = tpu.memref_slice %arg9[%add3A_11, %dma_start3A] : memref<10240x128xf32, #tpu.memory_space<vmem_shared>> -> memref<80x128xf32, #tpu.memory_space<vmem_shared>>
      %dma_start3A_48 = arith.constant 0 : i32
      %dma_start3A_49 = tpu.memref_slice %arg9[%add3A_11, %dma_start3A_48] : memref<10240x128xf32, #tpu.memory_space<vmem_shared>> -> memref<80x128xf32, #tpu.memory_space<vmem_shared>>
      tpu.enqueue_dma source(%arg8 : memref<80x128xf32, #tpu.memory_space<vmem>>) target(%dma_start3A_49 : memref<80x128xf32, #tpu.memory_space<vmem_shared>>) target_semaphore(%run_scoped3A : memref<!tpu.dma_semaphore, #tpu.memory_space<semaphore_mem>>)
      %dma_wait3A = arith.constant 0 : i32
      %dma_wait3A_50 = tpu.memref_slice %arg9[%add3A_11, %dma_wait3A] : memref<10240x128xf32, #tpu.memory_space<vmem_shared>> -> memref<80x128xf32, #tpu.memory_space<vmem_shared>>
      %dma_wait3A_51 = arith.constant 0 : i32
      %dma_wait3A_52 = tpu.memref_slice %arg9[%add3A_11, %dma_wait3A_51] : memref<10240x128xf32, #tpu.memory_space<vmem_shared>> -> memref<80x128xf32, #tpu.memory_space<vmem_shared>>
      tpu.wait_dma2 semaphore(%run_scoped3A : memref<!tpu.dma_semaphore, #tpu.memory_space<semaphore_mem>>) src(%arg8 : memref<80x128xf32, #tpu.memory_space<vmem>>) dst(%dma_wait3A_52 : memref<80x128xf32, #tpu.memory_space<vmem_shared>>)
      tpu.yield
    }) : () -> ()
    %mul3A_12 = arith.constant 640 : i32
    %mul3A_13 = arith.muli %arg1, %mul3A_12 : i32
    %add3A_14 = arith.constant 160 : i32
    %add3A_15 = arith.addi %mul3A_13, %add3A_14 : i32
    "tpu.region"() ({
      %run_scoped3A = tpu.sem_alloc : memref<!tpu.dma_semaphore, #tpu.memory_space<semaphore_mem>>
      %dma_start3A = arith.constant 0 : i32
      %dma_start3A_47 = tpu.memref_slice %arg9[%add3A_15, %dma_start3A] : memref<10240x128xf32, #tpu.memory_space<vmem_shared>> -> memref<80x128xf32, #tpu.memory_space<vmem_shared>>
      %dma_start3A_48 = arith.constant 0 : i32
      %dma_start3A_49 = tpu.memref_slice %arg9[%add3A_15, %dma_start3A_48] : memref<10240x128xf32, #tpu.memory_space<vmem_shared>> -> memref<80x128xf32, #tpu.memory_space<vmem_shared>>
      tpu.enqueue_dma source(%arg8 : memref<80x128xf32, #tpu.memory_space<vmem>>) target(%dma_start3A_49 : memref<80x128xf32, #tpu.memory_space<vmem_shared>>) target_semaphore(%run_scoped3A : memref<!tpu.dma_semaphore, #tpu.memory_space<semaphore_mem>>)
      %dma_wait3A = arith.constant 0 : i32
      %dma_wait3A_50 = tpu.memref_slice %arg9[%add3A_15, %dma_wait3A] : memref<10240x128xf32, #tpu.memory_space<vmem_shared>> -> memref<80x128xf32, #tpu.memory_space<vmem_shared>>
      %dma_wait3A_51 = arith.constant 0 : i32
      %dma_wait3A_52 = tpu.memref_slice %arg9[%add3A_15, %dma_wait3A_51] : memref<10240x128xf32, #tpu.memory_space<vmem_shared>> -> memref<80x128xf32, #tpu.memory_space<vmem_shared>>
      tpu.wait_dma2 semaphore(%run_scoped3A : memref<!tpu.dma_semaphore, #tpu.memory_space<semaphore_mem>>) src(%arg8 : memref<80x128xf32, #tpu.memory_space<vmem>>) dst(%dma_wait3A_52 : memref<80x128xf32, #tpu.memory_space<vmem_shared>>)
      tpu.yield
    }) : () -> ()
    %mul3A_16 = arith.constant 640 : i32
    %mul3A_17 = arith.muli %arg1, %mul3A_16 : i32
    %add3A_18 = arith.constant 240 : i32
    %add3A_19 = arith.addi %mul3A_17, %add3A_18 : i32
    "tpu.region"() ({
      %run_scoped3A = tpu.sem_alloc : memref<!tpu.dma_semaphore, #tpu.memory_space<semaphore_mem>>
      %dma_start3A = arith.constant 0 : i32
      %dma_start3A_47 = tpu.memref_slice %arg9[%add3A_19, %dma_start3A] : memref<10240x128xf32, #tpu.memory_space<vmem_shared>> -> memref<80x128xf32, #tpu.memory_space<vmem_shared>>
      %dma_start3A_48 = arith.constant 0 : i32
      %dma_start3A_49 = tpu.memref_slice %arg9[%add3A_19, %dma_start3A_48] : memref<10240x128xf32, #tpu.memory_space<vmem_shared>> -> memref<80x128xf32, #tpu.memory_space<vmem_shared>>
      tpu.enqueue_dma source(%arg8 : memref<80x128xf32, #tpu.memory_space<vmem>>) target(%dma_start3A_49 : memref<80x128xf32, #tpu.memory_space<vmem_shared>>) target_semaphore(%run_scoped3A : memref<!tpu.dma_semaphore, #tpu.memory_space<semaphore_mem>>)
      %dma_wait3A = arith.constant 0 : i32
      %dma_wait3A_50 = tpu.memref_slice %arg9[%add3A_19, %dma_wait3A] : memref<10240x128xf32, #tpu.memory_space<vmem_shared>> -> memref<80x128xf32, #tpu.memory_space<vmem_shared>>
      %dma_wait3A_51 = arith.constant 0 : i32
      %dma_wait3A_52 = tpu.memref_slice %arg9[%add3A_19, %dma_wait3A_51] : memref<10240x128xf32, #tpu.memory_space<vmem_shared>> -> memref<80x128xf32, #tpu.memory_space<vmem_shared>>
      tpu.wait_dma2 semaphore(%run_scoped3A : memref<!tpu.dma_semaphore, #tpu.memory_space<semaphore_mem>>) src(%arg8 : memref<80x128xf32, #tpu.memory_space<vmem>>) dst(%dma_wait3A_52 : memref<80x128xf32, #tpu.memory_space<vmem_shared>>)
      tpu.yield
    }) : () -> ()
    %mul3A_20 = arith.constant 640 : i32
    %mul3A_21 = arith.muli %arg1, %mul3A_20 : i32
    %add3A_22 = arith.constant 320 : i32
    %add3A_23 = arith.addi %mul3A_21, %add3A_22 : i32
    "tpu.region"() ({
      %run_scoped3A = tpu.sem_alloc : memref<!tpu.dma_semaphore, #tpu.memory_space<semaphore_mem>>
      %dma_start3A = arith.constant 0 : i32
      %dma_start3A_47 = tpu.memref_slice %arg9[%add3A_23, %dma_start3A] : memref<10240x128xf32, #tpu.memory_space<vmem_shared>> -> memref<80x128xf32, #tpu.memory_space<vmem_shared>>
      %dma_start3A_48 = arith.constant 0 : i32
      %dma_start3A_49 = tpu.memref_slice %arg9[%add3A_23, %dma_start3A_48] : memref<10240x128xf32, #tpu.memory_space<vmem_shared>> -> memref<80x128xf32, #tpu.memory_space<vmem_shared>>
      tpu.enqueue_dma source(%arg8 : memref<80x128xf32, #tpu.memory_space<vmem>>) target(%dma_start3A_49 : memref<80x128xf32, #tpu.memory_space<vmem_shared>>) target_semaphore(%run_scoped3A : memref<!tpu.dma_semaphore, #tpu.memory_space<semaphore_mem>>)
      %dma_wait3A = arith.constant 0 : i32
      %dma_wait3A_50 = tpu.memref_slice %arg9[%add3A_23, %dma_wait3A] : memref<10240x128xf32, #tpu.memory_space<vmem_shared>> -> memref<80x128xf32, #tpu.memory_space<vmem_shared>>
      %dma_wait3A_51 = arith.constant 0 : i32
      %dma_wait3A_52 = tpu.memref_slice %arg9[%add3A_23, %dma_wait3A_51] : memref<10240x128xf32, #tpu.memory_space<vmem_shared>> -> memref<80x128xf32, #tpu.memory_space<vmem_shared>>
      tpu.wait_dma2 semaphore(%run_scoped3A : memref<!tpu.dma_semaphore, #tpu.memory_space<semaphore_mem>>) src(%arg8 : memref<80x128xf32, #tpu.memory_space<vmem>>) dst(%dma_wait3A_52 : memref<80x128xf32, #tpu.memory_space<vmem_shared>>)
      tpu.yield
    }) : () -> ()
    %mul3A_24 = arith.constant 640 : i32
    %mul3A_25 = arith.muli %arg1, %mul3A_24 : i32
    %add3A_26 = arith.constant 400 : i32
    %add3A_27 = arith.addi %mul3A_25, %add3A_26 : i32
    "tpu.region"() ({
      %run_scoped3A = tpu.sem_alloc : memref<!tpu.dma_semaphore, #tpu.memory_space<semaphore_mem>>
      %dma_start3A = arith.constant 0 : i32
      %dma_start3A_47 = tpu.memref_slice %arg9[%add3A_27, %dma_start3A] : memref<10240x128xf32, #tpu.memory_space<vmem_shared>> -> memref<80x128xf32, #tpu.memory_space<vmem_shared>>
      %dma_start3A_48 = arith.constant 0 : i32
      %dma_start3A_49 = tpu.memref_slice %arg9[%add3A_27, %dma_start3A_48] : memref<10240x128xf32, #tpu.memory_space<vmem_shared>> -> memref<80x128xf32, #tpu.memory_space<vmem_shared>>
      tpu.enqueue_dma source(%arg8 : memref<80x128xf32, #tpu.memory_space<vmem>>) target(%dma_start3A_49 : memref<80x128xf32, #tpu.memory_space<vmem_shared>>) target_semaphore(%run_scoped3A : memref<!tpu.dma_semaphore, #tpu.memory_space<semaphore_mem>>)
      %dma_wait3A = arith.constant 0 : i32
      %dma_wait3A_50 = tpu.memref_slice %arg9[%add3A_27, %dma_wait3A] : memref<10240x128xf32, #tpu.memory_space<vmem_shared>> -> memref<80x128xf32, #tpu.memory_space<vmem_shared>>
      %dma_wait3A_51 = arith.constant 0 : i32
      %dma_wait3A_52 = tpu.memref_slice %arg9[%add3A_27, %dma_wait3A_51] : memref<10240x128xf32, #tpu.memory_space<vmem_shared>> -> memref<80x128xf32, #tpu.memory_space<vmem_shared>>
      tpu.wait_dma2 semaphore(%run_scoped3A : memref<!tpu.dma_semaphore, #tpu.memory_space<semaphore_mem>>) src(%arg8 : memref<80x128xf32, #tpu.memory_space<vmem>>) dst(%dma_wait3A_52 : memref<80x128xf32, #tpu.memory_space<vmem_shared>>)
      tpu.yield
    }) : () -> ()
    %mul3A_28 = arith.constant 640 : i32
    %mul3A_29 = arith.muli %arg1, %mul3A_28 : i32
    %add3A_30 = arith.constant 480 : i32
    %add3A_31 = arith.addi %mul3A_29, %add3A_30 : i32
    "tpu.region"() ({
      %run_scoped3A = tpu.sem_alloc : memref<!tpu.dma_semaphore, #tpu.memory_space<semaphore_mem>>
      %dma_start3A = arith.constant 0 : i32
      %dma_start3A_47 = tpu.memref_slice %arg9[%add3A_31, %dma_start3A] : memref<10240x128xf32, #tpu.memory_space<vmem_shared>> -> memref<80x128xf32, #tpu.memory_space<vmem_shared>>
      %dma_start3A_48 = arith.constant 0 : i32
      %dma_start3A_49 = tpu.memref_slice %arg9[%add3A_31, %dma_start3A_48] : memref<10240x128xf32, #tpu.memory_space<vmem_shared>> -> memref<80x128xf32, #tpu.memory_space<vmem_shared>>
      tpu.enqueue_dma source(%arg8 : memref<80x128xf32, #tpu.memory_space<vmem>>) target(%dma_start3A_49 : memref<80x128xf32, #tpu.memory_space<vmem_shared>>) target_semaphore(%run_scoped3A : memref<!tpu.dma_semaphore, #tpu.memory_space<semaphore_mem>>)
      %dma_wait3A = arith.constant 0 : i32
      %dma_wait3A_50 = tpu.memref_slice %arg9[%add3A_31, %dma_wait3A] : memref<10240x128xf32, #tpu.memory_space<vmem_shared>> -> memref<80x128xf32, #tpu.memory_space<vmem_shared>>
      %dma_wait3A_51 = arith.constant 0 : i32
      %dma_wait3A_52 = tpu.memref_slice %arg9[%add3A_31, %dma_wait3A_51] : memref<10240x128xf32, #tpu.memory_space<vmem_shared>> -> memref<80x128xf32, #tpu.memory_space<vmem_shared>>
      tpu.wait_dma2 semaphore(%run_scoped3A : memref<!tpu.dma_semaphore, #tpu.memory_space<semaphore_mem>>) src(%arg8 : memref<80x128xf32, #tpu.memory_space<vmem>>) dst(%dma_wait3A_52 : memref<80x128xf32, #tpu.memory_space<vmem_shared>>)
      tpu.yield
    }) : () -> ()
    %mul3A_32 = arith.constant 640 : i32
    %mul3A_33 = arith.muli %arg1, %mul3A_32 : i32
    %add3A_34 = arith.constant 560 : i32
    %add3A_35 = arith.addi %mul3A_33, %add3A_34 : i32
    "tpu.region"() ({
      %run_scoped3A = tpu.sem_alloc : memref<!tpu.dma_semaphore, #tpu.memory_space<semaphore_mem>>
      %dma_start3A = arith.constant 0 : i32
      %dma_start3A_47 = tpu.memref_slice %arg9[%add3A_35, %dma_start3A] : memref<10240x128xf32, #tpu.memory_space<vmem_shared>> -> memref<80x128xf32, #tpu.memory_space<vmem_shared>>
      %dma_start3A_48 = arith.constant 0 : i32
      %dma_start3A_49 = tpu.memref_slice %arg9[%add3A_35, %dma_start3A_48] : memref<10240x128xf32, #tpu.memory_space<vmem_shared>> -> memref<80x128xf32, #tpu.memory_space<vmem_shared>>
      tpu.enqueue_dma source(%arg8 : memref<80x128xf32, #tpu.memory_space<vmem>>) target(%dma_start3A_49 : memref<80x128xf32, #tpu.memory_space<vmem_shared>>) target_semaphore(%run_scoped3A : memref<!tpu.dma_semaphore, #tpu.memory_space<semaphore_mem>>)
      %dma_wait3A = arith.constant 0 : i32
      %dma_wait3A_50 = tpu.memref_slice %arg9[%add3A_35, %dma_wait3A] : memref<10240x128xf32, #tpu.memory_space<vmem_shared>> -> memref<80x128xf32, #tpu.memory_space<vmem_shared>>
      %dma_wait3A_51 = arith.constant 0 : i32
      %dma_wait3A_52 = tpu.memref_slice %arg9[%add3A_35, %dma_wait3A_51] : memref<10240x128xf32, #tpu.memory_space<vmem_shared>> -> memref<80x128xf32, #tpu.memory_space<vmem_shared>>
      tpu.wait_dma2 semaphore(%run_scoped3A : memref<!tpu.dma_semaphore, #tpu.memory_space<semaphore_mem>>) src(%arg8 : memref<80x128xf32, #tpu.memory_space<vmem>>) dst(%dma_wait3A_52 : memref<80x128xf32, #tpu.memory_space<vmem_shared>>)
      tpu.yield
    }) : () -> ()
    %barrier3A = arith.constant 0 : index
    tpu.barrier barrier_id(%barrier3A)
    "tpu.region"() ({
      %run_scoped3A = tpu.sem_alloc : memref<!tpu.dma_semaphore, #tpu.memory_space<semaphore_mem>>
      %dma_start3A = arith.constant 0 : i32
      %dma_start3A_47 = arith.constant 0 : i32
      %dma_start3A_48 = tpu.memref_slice %arg2[%arg0, %arg1, %dma_start3A, %dma_start3A_47] : memref<2x16x125x80xi32, #tpu.memory_space<hbm>> -> memref<1x1x125x80xi32, #tpu.memory_space<hbm>>
      %dma_start3A_49 = tpu.memref_squeeze %dma_start3A_48 : memref<1x1x125x80xi32, #tpu.memory_space<hbm>> -> memref<125x80xi32, #tpu.memory_space<hbm>>
      %dma_start3A_50 = arith.constant 0 : i32
      %dma_start3A_51 = arith.constant 0 : i32
      %dma_start3A_52 = tpu.memref_slice %arg2[%arg0, %arg1, %dma_start3A_50, %dma_start3A_51] : memref<2x16x125x80xi32, #tpu.memory_space<hbm>> -> memref<1x1x125x80xi32, #tpu.memory_space<hbm>>
      %dma_start3A_53 = tpu.memref_squeeze %dma_start3A_52 : memref<1x1x125x80xi32, #tpu.memory_space<hbm>> -> memref<125x80xi32, #tpu.memory_space<hbm>>
      tpu.enqueue_dma source(%dma_start3A_53 : memref<125x80xi32, #tpu.memory_space<hbm>>) target(%arg6 : memref<125x80xi32, #tpu.memory_space<vmem>>) target_semaphore(%run_scoped3A : memref<!tpu.dma_semaphore, #tpu.memory_space<semaphore_mem>>)
      %dma_wait3A = arith.constant 0 : i32
      %dma_wait3A_54 = arith.constant 0 : i32
      %dma_wait3A_55 = tpu.memref_slice %arg2[%arg0, %arg1, %dma_wait3A, %dma_wait3A_54] : memref<2x16x125x80xi32, #tpu.memory_space<hbm>> -> memref<1x1x125x80xi32, #tpu.memory_space<hbm>>
      %dma_wait3A_56 = tpu.memref_squeeze %dma_wait3A_55 : memref<1x1x125x80xi32, #tpu.memory_space<hbm>> -> memref<125x80xi32, #tpu.memory_space<hbm>>
      %dma_wait3A_57 = arith.constant 0 : i32
      %dma_wait3A_58 = arith.constant 0 : i32
      %dma_wait3A_59 = tpu.memref_slice %arg2[%arg0, %arg1, %dma_wait3A_57, %dma_wait3A_58] : memref<2x16x125x80xi32, #tpu.memory_space<hbm>> -> memref<1x1x125x80xi32, #tpu.memory_space<hbm>>
      %dma_wait3A_60 = tpu.memref_squeeze %dma_wait3A_59 : memref<1x1x125x80xi32, #tpu.memory_space<hbm>> -> memref<125x80xi32, #tpu.memory_space<hbm>>
      tpu.wait_dma2 semaphore(%run_scoped3A : memref<!tpu.dma_semaphore, #tpu.memory_space<semaphore_mem>>) src(%dma_wait3A_60 : memref<125x80xi32, #tpu.memory_space<hbm>>) dst(%arg6 : memref<125x80xi32, #tpu.memory_space<vmem>>)
      tpu.yield
    }) : () -> ()
    "tpu.region"() ({
      %run_scoped3A = tpu.sem_alloc : memref<!tpu.dma_semaphore, #tpu.memory_space<semaphore_mem>>
      %dma_start3A = arith.constant 0 : i32
      %dma_start3A_47 = arith.constant 0 : i32
      %dma_start3A_48 = tpu.memref_slice %arg3[%arg0, %arg1, %dma_start3A, %dma_start3A_47] : memref<2x16x125x80xi32, #tpu.memory_space<hbm>> -> memref<1x1x125x80xi32, #tpu.memory_space<hbm>>
      %dma_start3A_49 = tpu.memref_squeeze %dma_start3A_48 : memref<1x1x125x80xi32, #tpu.memory_space<hbm>> -> memref<125x80xi32, #tpu.memory_space<hbm>>
      %dma_start3A_50 = arith.constant 0 : i32
      %dma_start3A_51 = arith.constant 0 : i32
      %dma_start3A_52 = tpu.memref_slice %arg3[%arg0, %arg1, %dma_start3A_50, %dma_start3A_51] : memref<2x16x125x80xi32, #tpu.memory_space<hbm>> -> memref<1x1x125x80xi32, #tpu.memory_space<hbm>>
      %dma_start3A_53 = tpu.memref_squeeze %dma_start3A_52 : memref<1x1x125x80xi32, #tpu.memory_space<hbm>> -> memref<125x80xi32, #tpu.memory_space<hbm>>
      tpu.enqueue_dma source(%dma_start3A_53 : memref<125x80xi32, #tpu.memory_space<hbm>>) target(%arg7 : memref<125x80xi32, #tpu.memory_space<vmem>>) target_semaphore(%run_scoped3A : memref<!tpu.dma_semaphore, #tpu.memory_space<semaphore_mem>>)
      %dma_wait3A = arith.constant 0 : i32
      %dma_wait3A_54 = arith.constant 0 : i32
      %dma_wait3A_55 = tpu.memref_slice %arg3[%arg0, %arg1, %dma_wait3A, %dma_wait3A_54] : memref<2x16x125x80xi32, #tpu.memory_space<hbm>> -> memref<1x1x125x80xi32, #tpu.memory_space<hbm>>
      %dma_wait3A_56 = tpu.memref_squeeze %dma_wait3A_55 : memref<1x1x125x80xi32, #tpu.memory_space<hbm>> -> memref<125x80xi32, #tpu.memory_space<hbm>>
      %dma_wait3A_57 = arith.constant 0 : i32
      %dma_wait3A_58 = arith.constant 0 : i32
      %dma_wait3A_59 = tpu.memref_slice %arg3[%arg0, %arg1, %dma_wait3A_57, %dma_wait3A_58] : memref<2x16x125x80xi32, #tpu.memory_space<hbm>> -> memref<1x1x125x80xi32, #tpu.memory_space<hbm>>
      %dma_wait3A_60 = tpu.memref_squeeze %dma_wait3A_59 : memref<1x1x125x80xi32, #tpu.memory_space<hbm>> -> memref<125x80xi32, #tpu.memory_space<hbm>>
      tpu.wait_dma2 semaphore(%run_scoped3A : memref<!tpu.dma_semaphore, #tpu.memory_space<semaphore_mem>>) src(%dma_wait3A_60 : memref<125x80xi32, #tpu.memory_space<hbm>>) dst(%arg7 : memref<125x80xi32, #tpu.memory_space<vmem>>)
      tpu.yield
    }) : () -> ()
    %scan3A_36 = arith.constant 0 : i32
    %scan3A_37 = arith.constant 0 : i32
    %scan3A_38 = arith.constant 125 : i32
    %scan3A_39 = arith.addi %scan3A_37, %scan3A_38 : i32
    %scan3A_40 = arith.constant 1 : i32
    scf.for %scan3A_47 = %scan3A_37 to %scan3A_39 step %scan3A_40  : i32 {
      "tpu.region"() ({
        %run_scoped3A = tpu.sem_alloc : memref<!tpu.dma_semaphore, #tpu.memory_space<semaphore_mem>>
        %dma_start3A = arith.constant 0 : i32
        %dma_start3A_48 = tpu.memref_slice %arg6[%scan3A_47, %dma_start3A] : memref<125x80xi32, #tpu.memory_space<vmem>> -> memref<1x80xi32, #tpu.memory_space<vmem>>
        %dma_start3A_49 = tpu.memref_squeeze %dma_start3A_48 : memref<1x80xi32, #tpu.memory_space<vmem>> -> memref<80xi32, #tpu.memory_space<vmem>>
        %dma_start3A_50 = arith.constant 0 : i32
        %dma_start3A_51 = arith.constant 0 : i32
        %dma_start3A_52 = tpu.memref_slice %arg4[%dma_start3A_50, %dma_start3A_51] : memref<10000x128xf32, #tpu.memory_space<hbm>> -> memref<10000x128xf32, #tpu.memory_space<hbm>>
        tpu.enqueue_indirect_dma source(%dma_start3A_52 : memref<10000x128xf32, #tpu.memory_space<hbm>>) target(%arg8 : memref<80x128xf32, #tpu.memory_space<vmem>>) offsets(%dma_start3A_49 : memref<80xi32, #tpu.memory_space<vmem>>) semaphore(%run_scoped3A : memref<!tpu.dma_semaphore, #tpu.memory_space<semaphore_mem>>)
        %dma_wait3A = arith.constant 0 : i32
        %dma_wait3A_53 = tpu.memref_slice %arg6[%scan3A_47, %dma_wait3A] : memref<125x80xi32, #tpu.memory_space<vmem>> -> memref<1x80xi32, #tpu.memory_space<vmem>>
        %dma_wait3A_54 = tpu.memref_squeeze %dma_wait3A_53 : memref<1x80xi32, #tpu.memory_space<vmem>> -> memref<80xi32, #tpu.memory_space<vmem>>
        %dma_wait3A_55 = arith.constant 0 : i32
        %dma_wait3A_56 = arith.constant 0 : i32
        %dma_wait3A_57 = tpu.memref_slice %arg4[%dma_wait3A_55, %dma_wait3A_56] : memref<10000x128xf32, #tpu.memory_space<hbm>> -> memref<10000x128xf32, #tpu.memory_space<hbm>>
        tpu.wait_indirect_dma semaphore(%run_scoped3A : memref<!tpu.dma_semaphore, #tpu.memory_space<semaphore_mem>>) src(%dma_wait3A_57 : memref<10000x128xf32, #tpu.memory_space<hbm>>) dst(%arg8 : memref<80x128xf32, #tpu.memory_space<vmem>>)
        tpu.yield
      }) : () -> ()
      "tpu.region"() ({
        %run_scoped3A = tpu.sem_alloc : memref<!tpu.dma_semaphore, #tpu.memory_space<semaphore_mem>>
        %dma_start3A = arith.constant 0 : i32
        %dma_start3A_48 = tpu.memref_slice %arg7[%scan3A_47, %dma_start3A] : memref<125x80xi32, #tpu.memory_space<vmem>> -> memref<1x80xi32, #tpu.memory_space<vmem>>
        %dma_start3A_49 = tpu.memref_squeeze %dma_start3A_48 : memref<1x80xi32, #tpu.memory_space<vmem>> -> memref<80xi32, #tpu.memory_space<vmem>>
        %dma_start3A_50 = arith.constant 0 : i32
        %dma_start3A_51 = arith.constant 0 : i32
        %dma_start3A_52 = tpu.memref_slice %arg9[%dma_start3A_50, %dma_start3A_51] : memref<10240x128xf32, #tpu.memory_space<vmem_shared>> -> memref<10240x128xf32, #tpu.memory_space<vmem_shared>>
        tpu.enqueue_indirect_dma source(%arg8 : memref<80x128xf32, #tpu.memory_space<vmem>>) target(%dma_start3A_52 : memref<10240x128xf32, #tpu.memory_space<vmem_shared>>) offsets(%dma_start3A_49 : memref<80xi32, #tpu.memory_space<vmem>>) semaphore(%run_scoped3A : memref<!tpu.dma_semaphore, #tpu.memory_space<semaphore_mem>>) {add = true}
        %dma_wait3A = arith.constant 0 : i32
        %dma_wait3A_53 = tpu.memref_slice %arg7[%scan3A_47, %dma_wait3A] : memref<125x80xi32, #tpu.memory_space<vmem>> -> memref<1x80xi32, #tpu.memory_space<vmem>>
        %dma_wait3A_54 = tpu.memref_squeeze %dma_wait3A_53 : memref<1x80xi32, #tpu.memory_space<vmem>> -> memref<80xi32, #tpu.memory_space<vmem>>
        %dma_wait3A_55 = arith.constant 0 : i32
        %dma_wait3A_56 = arith.constant 0 : i32
        %dma_wait3A_57 = tpu.memref_slice %arg9[%dma_wait3A_55, %dma_wait3A_56] : memref<10240x128xf32, #tpu.memory_space<vmem_shared>> -> memref<10240x128xf32, #tpu.memory_space<vmem_shared>>
        tpu.wait_indirect_dma semaphore(%run_scoped3A : memref<!tpu.dma_semaphore, #tpu.memory_space<semaphore_mem>>) src(%arg8 : memref<80x128xf32, #tpu.memory_space<vmem>>) dst(%dma_wait3A_57 : memref<10240x128xf32, #tpu.memory_space<vmem_shared>>)
        tpu.yield
      }) : () -> ()
    }
    %scan3A_41 = arith.constant 125 : i32
    %barrier3A_42 = arith.constant 0 : index
    tpu.barrier barrier_id(%barrier3A_42)
    %mul3A_43 = arith.constant 640 : i32
    %mul3A_44 = arith.muli %arg1, %mul3A_43 : i32
    %mul3A_45 = arith.constant 640 : i32
    %mul3A_46 = arith.muli %arg1, %mul3A_45 : i32
    "tpu.region"() ({
      %run_scoped3A = tpu.sem_alloc : memref<!tpu.dma_semaphore, #tpu.memory_space<semaphore_mem>>
      %dma_start3A = arith.constant 0 : i32
      %dma_start3A_47 = tpu.memref_slice %arg5[%arg0, %mul3A_46, %dma_start3A] : memref<2x10240x128xf32, #tpu.memory_space<hbm>> -> memref<1x640x128xf32, #tpu.memory_space<hbm>>
      %dma_start3A_48 = tpu.memref_squeeze %dma_start3A_47 : memref<1x640x128xf32, #tpu.memory_space<hbm>> -> memref<640x128xf32, #tpu.memory_space<hbm>>
      %dma_start3A_49 = arith.constant 0 : i32
      %dma_start3A_50 = tpu.memref_slice %arg9[%mul3A_44, %dma_start3A_49] : memref<10240x128xf32, #tpu.memory_space<vmem_shared>> -> memref<640x128xf32, #tpu.memory_space<vmem_shared>>
      tpu.enqueue_dma source(%dma_start3A_50 : memref<640x128xf32, #tpu.memory_space<vmem_shared>>) target(%dma_start3A_48 : memref<640x128xf32, #tpu.memory_space<hbm>>) target_semaphore(%run_scoped3A : memref<!tpu.dma_semaphore, #tpu.memory_space<semaphore_mem>>)
      %dma_wait3A = arith.constant 0 : i32
      %dma_wait3A_51 = tpu.memref_slice %arg5[%arg0, %mul3A_46, %dma_wait3A] : memref<2x10240x128xf32, #tpu.memory_space<hbm>> -> memref<1x640x128xf32, #tpu.memory_space<hbm>>
      %dma_wait3A_52 = tpu.memref_squeeze %dma_wait3A_51 : memref<1x640x128xf32, #tpu.memory_space<hbm>> -> memref<640x128xf32, #tpu.memory_space<hbm>>
      %dma_wait3A_53 = arith.constant 0 : i32
      %dma_wait3A_54 = tpu.memref_slice %arg9[%mul3A_44, %dma_wait3A_53] : memref<10240x128xf32, #tpu.memory_space<vmem_shared>> -> memref<640x128xf32, #tpu.memory_space<vmem_shared>>
      tpu.wait_dma2 semaphore(%run_scoped3A : memref<!tpu.dma_semaphore, #tpu.memory_space<semaphore_mem>>) src(%dma_wait3A_54 : memref<640x128xf32, #tpu.memory_space<vmem_shared>>) dst(%dma_wait3A_52 : memref<640x128xf32, #tpu.memory_space<hbm>>)
      tpu.yield
    }) : () -> ()
    return
  }
}

#map = affine_map<(d0, d1) -> (0, 0, 0, 0)>
#map1 = affine_map<(d0, d1) -> (0, 0, 0)>
module attributes {stable_mosaic.version = 14 : i64} {
  func.func @_deg_kernel(%arg0: i32, %arg1: i32, %arg2: memref<2x16x125x80xi32, #tpu.memory_space<hbm>>, %arg3: memref<2x10240x16xf32, #tpu.memory_space<hbm>>, %arg4: memref<125x80xi32, #tpu.memory_space<vmem>>, %arg5: memref<80x16xf32, #tpu.memory_space<vmem>>, %arg6: memref<10240x16xf32, #tpu.memory_space<vmem_shared>>) attributes {dimension_semantics = [#tpu.dimension_semantics<core_parallel>, #tpu.dimension_semantics<subcore_parallel>], iteration_bounds = array<i64: 2, 16>, scalar_prefetch = 0 : i64, scratch_operands = 3 : i64, tpu.core_type = #tpu.core_type<sc_vector_subcore>, window_params = [{transform_indices = #map}, {transform_indices = #map1}]} {
    %broadcast_in_dim3A = arith.constant 0.000000e+00 : f32
    %broadcast_in_dim3A_0 = vector.broadcast %broadcast_in_dim3A : f32 to vector<16xf32>
    %scan3A = arith.constant 0 : i32
    %scan3A_1 = arith.constant 0 : i32
    %scan3A_2 = arith.constant 80 : i32
    %scan3A_3 = arith.addi %scan3A_1, %scan3A_2 : i32
    %scan3A_4 = arith.constant 1 : i32
    scf.for %scan3A_55 = %scan3A_1 to %scan3A_3 step %scan3A_4  : i32 {
      %swap3A = arith.index_cast %scan3A_55 : i32 to index
      %swap3A_56 = arith.constant 0 : index
      %swap3A_57 = tpu.vector_load %arg5[%swap3A, %swap3A_56] {strides = array<i32>} : memref<80x16xf32, #tpu.memory_space<vmem>>, vector<1x16xf32>,
      %swap3A_58 = vector.shape_cast %swap3A_57 : vector<1x16xf32> to vector<16xf32>
      %swap3A_59 = vector.shape_cast %broadcast_in_dim3A_0 : vector<16xf32> to vector<1x16xf32>
      tpu.vector_store %arg5[%swap3A, %swap3A_56], %swap3A_59 {strides = array<i32>} : memref<80x16xf32, #tpu.memory_space<vmem>>, vector<1x16xf32>,
    }
    %scan3A_5 = arith.constant 80 : i32
    %mul3A = arith.constant 640 : i32
    %mul3A_6 = arith.muli %arg1, %mul3A : i32
    %add3A = arith.constant 0 : i32
    %add3A_7 = arith.addi %mul3A_6, %add3A : i32
    "tpu.region"() ({
      %run_scoped3A = tpu.sem_alloc : memref<!tpu.dma_semaphore, #tpu.memory_space<semaphore_mem>>
      %dma_start3A = arith.constant 0 : i32
      %dma_start3A_55 = tpu.memref_slice %arg6[%add3A_7, %dma_start3A] : memref<10240x16xf32, #tpu.memory_space<vmem_shared>> -> memref<80x16xf32, #tpu.memory_space<vmem_shared>>
      %dma_start3A_56 = arith.constant 0 : i32
      %dma_start3A_57 = tpu.memref_slice %arg6[%add3A_7, %dma_start3A_56] : memref<10240x16xf32, #tpu.memory_space<vmem_shared>> -> memref<80x16xf32, #tpu.memory_space<vmem_shared>>
      tpu.enqueue_dma source(%arg5 : memref<80x16xf32, #tpu.memory_space<vmem>>) target(%dma_start3A_57 : memref<80x16xf32, #tpu.memory_space<vmem_shared>>) target_semaphore(%run_scoped3A : memref<!tpu.dma_semaphore, #tpu.memory_space<semaphore_mem>>)
      %dma_wait3A = arith.constant 0 : i32
      %dma_wait3A_58 = tpu.memref_slice %arg6[%add3A_7, %dma_wait3A] : memref<10240x16xf32, #tpu.memory_space<vmem_shared>> -> memref<80x16xf32, #tpu.memory_space<vmem_shared>>
      %dma_wait3A_59 = arith.constant 0 : i32
      %dma_wait3A_60 = tpu.memref_slice %arg6[%add3A_7, %dma_wait3A_59] : memref<10240x16xf32, #tpu.memory_space<vmem_shared>> -> memref<80x16xf32, #tpu.memory_space<vmem_shared>>
      tpu.wait_dma2 semaphore(%run_scoped3A : memref<!tpu.dma_semaphore, #tpu.memory_space<semaphore_mem>>) src(%arg5 : memref<80x16xf32, #tpu.memory_space<vmem>>) dst(%dma_wait3A_60 : memref<80x16xf32, #tpu.memory_space<vmem_shared>>)
      tpu.yield
    }) : () -> ()
    %mul3A_8 = arith.constant 640 : i32
    %mul3A_9 = arith.muli %arg1, %mul3A_8 : i32
    %add3A_10 = arith.constant 80 : i32
    %add3A_11 = arith.addi %mul3A_9, %add3A_10 : i32
    "tpu.region"() ({
      %run_scoped3A = tpu.sem_alloc : memref<!tpu.dma_semaphore, #tpu.memory_space<semaphore_mem>>
      %dma_start3A = arith.constant 0 : i32
      %dma_start3A_55 = tpu.memref_slice %arg6[%add3A_11, %dma_start3A] : memref<10240x16xf32, #tpu.memory_space<vmem_shared>> -> memref<80x16xf32, #tpu.memory_space<vmem_shared>>
      %dma_start3A_56 = arith.constant 0 : i32
      %dma_start3A_57 = tpu.memref_slice %arg6[%add3A_11, %dma_start3A_56] : memref<10240x16xf32, #tpu.memory_space<vmem_shared>> -> memref<80x16xf32, #tpu.memory_space<vmem_shared>>
      tpu.enqueue_dma source(%arg5 : memref<80x16xf32, #tpu.memory_space<vmem>>) target(%dma_start3A_57 : memref<80x16xf32, #tpu.memory_space<vmem_shared>>) target_semaphore(%run_scoped3A : memref<!tpu.dma_semaphore, #tpu.memory_space<semaphore_mem>>)
      %dma_wait3A = arith.constant 0 : i32
      %dma_wait3A_58 = tpu.memref_slice %arg6[%add3A_11, %dma_wait3A] : memref<10240x16xf32, #tpu.memory_space<vmem_shared>> -> memref<80x16xf32, #tpu.memory_space<vmem_shared>>
      %dma_wait3A_59 = arith.constant 0 : i32
      %dma_wait3A_60 = tpu.memref_slice %arg6[%add3A_11, %dma_wait3A_59] : memref<10240x16xf32, #tpu.memory_space<vmem_shared>> -> memref<80x16xf32, #tpu.memory_space<vmem_shared>>
      tpu.wait_dma2 semaphore(%run_scoped3A : memref<!tpu.dma_semaphore, #tpu.memory_space<semaphore_mem>>) src(%arg5 : memref<80x16xf32, #tpu.memory_space<vmem>>) dst(%dma_wait3A_60 : memref<80x16xf32, #tpu.memory_space<vmem_shared>>)
      tpu.yield
    }) : () -> ()
    %mul3A_12 = arith.constant 640 : i32
    %mul3A_13 = arith.muli %arg1, %mul3A_12 : i32
    %add3A_14 = arith.constant 160 : i32
    %add3A_15 = arith.addi %mul3A_13, %add3A_14 : i32
    "tpu.region"() ({
      %run_scoped3A = tpu.sem_alloc : memref<!tpu.dma_semaphore, #tpu.memory_space<semaphore_mem>>
      %dma_start3A = arith.constant 0 : i32
      %dma_start3A_55 = tpu.memref_slice %arg6[%add3A_15, %dma_start3A] : memref<10240x16xf32, #tpu.memory_space<vmem_shared>> -> memref<80x16xf32, #tpu.memory_space<vmem_shared>>
      %dma_start3A_56 = arith.constant 0 : i32
      %dma_start3A_57 = tpu.memref_slice %arg6[%add3A_15, %dma_start3A_56] : memref<10240x16xf32, #tpu.memory_space<vmem_shared>> -> memref<80x16xf32, #tpu.memory_space<vmem_shared>>
      tpu.enqueue_dma source(%arg5 : memref<80x16xf32, #tpu.memory_space<vmem>>) target(%dma_start3A_57 : memref<80x16xf32, #tpu.memory_space<vmem_shared>>) target_semaphore(%run_scoped3A : memref<!tpu.dma_semaphore, #tpu.memory_space<semaphore_mem>>)
      %dma_wait3A = arith.constant 0 : i32
      %dma_wait3A_58 = tpu.memref_slice %arg6[%add3A_15, %dma_wait3A] : memref<10240x16xf32, #tpu.memory_space<vmem_shared>> -> memref<80x16xf32, #tpu.memory_space<vmem_shared>>
      %dma_wait3A_59 = arith.constant 0 : i32
      %dma_wait3A_60 = tpu.memref_slice %arg6[%add3A_15, %dma_wait3A_59] : memref<10240x16xf32, #tpu.memory_space<vmem_shared>> -> memref<80x16xf32, #tpu.memory_space<vmem_shared>>
      tpu.wait_dma2 semaphore(%run_scoped3A : memref<!tpu.dma_semaphore, #tpu.memory_space<semaphore_mem>>) src(%arg5 : memref<80x16xf32, #tpu.memory_space<vmem>>) dst(%dma_wait3A_60 : memref<80x16xf32, #tpu.memory_space<vmem_shared>>)
      tpu.yield
    }) : () -> ()
    %mul3A_16 = arith.constant 640 : i32
    %mul3A_17 = arith.muli %arg1, %mul3A_16 : i32
    %add3A_18 = arith.constant 240 : i32
    %add3A_19 = arith.addi %mul3A_17, %add3A_18 : i32
    "tpu.region"() ({
      %run_scoped3A = tpu.sem_alloc : memref<!tpu.dma_semaphore, #tpu.memory_space<semaphore_mem>>
      %dma_start3A = arith.constant 0 : i32
      %dma_start3A_55 = tpu.memref_slice %arg6[%add3A_19, %dma_start3A] : memref<10240x16xf32, #tpu.memory_space<vmem_shared>> -> memref<80x16xf32, #tpu.memory_space<vmem_shared>>
      %dma_start3A_56 = arith.constant 0 : i32
      %dma_start3A_57 = tpu.memref_slice %arg6[%add3A_19, %dma_start3A_56] : memref<10240x16xf32, #tpu.memory_space<vmem_shared>> -> memref<80x16xf32, #tpu.memory_space<vmem_shared>>
      tpu.enqueue_dma source(%arg5 : memref<80x16xf32, #tpu.memory_space<vmem>>) target(%dma_start3A_57 : memref<80x16xf32, #tpu.memory_space<vmem_shared>>) target_semaphore(%run_scoped3A : memref<!tpu.dma_semaphore, #tpu.memory_space<semaphore_mem>>)
      %dma_wait3A = arith.constant 0 : i32
      %dma_wait3A_58 = tpu.memref_slice %arg6[%add3A_19, %dma_wait3A] : memref<10240x16xf32, #tpu.memory_space<vmem_shared>> -> memref<80x16xf32, #tpu.memory_space<vmem_shared>>
      %dma_wait3A_59 = arith.constant 0 : i32
      %dma_wait3A_60 = tpu.memref_slice %arg6[%add3A_19, %dma_wait3A_59] : memref<10240x16xf32, #tpu.memory_space<vmem_shared>> -> memref<80x16xf32, #tpu.memory_space<vmem_shared>>
      tpu.wait_dma2 semaphore(%run_scoped3A : memref<!tpu.dma_semaphore, #tpu.memory_space<semaphore_mem>>) src(%arg5 : memref<80x16xf32, #tpu.memory_space<vmem>>) dst(%dma_wait3A_60 : memref<80x16xf32, #tpu.memory_space<vmem_shared>>)
      tpu.yield
    }) : () -> ()
    %mul3A_20 = arith.constant 640 : i32
    %mul3A_21 = arith.muli %arg1, %mul3A_20 : i32
    %add3A_22 = arith.constant 320 : i32
    %add3A_23 = arith.addi %mul3A_21, %add3A_22 : i32
    "tpu.region"() ({
      %run_scoped3A = tpu.sem_alloc : memref<!tpu.dma_semaphore, #tpu.memory_space<semaphore_mem>>
      %dma_start3A = arith.constant 0 : i32
      %dma_start3A_55 = tpu.memref_slice %arg6[%add3A_23, %dma_start3A] : memref<10240x16xf32, #tpu.memory_space<vmem_shared>> -> memref<80x16xf32, #tpu.memory_space<vmem_shared>>
      %dma_start3A_56 = arith.constant 0 : i32
      %dma_start3A_57 = tpu.memref_slice %arg6[%add3A_23, %dma_start3A_56] : memref<10240x16xf32, #tpu.memory_space<vmem_shared>> -> memref<80x16xf32, #tpu.memory_space<vmem_shared>>
      tpu.enqueue_dma source(%arg5 : memref<80x16xf32, #tpu.memory_space<vmem>>) target(%dma_start3A_57 : memref<80x16xf32, #tpu.memory_space<vmem_shared>>) target_semaphore(%run_scoped3A : memref<!tpu.dma_semaphore, #tpu.memory_space<semaphore_mem>>)
      %dma_wait3A = arith.constant 0 : i32
      %dma_wait3A_58 = tpu.memref_slice %arg6[%add3A_23, %dma_wait3A] : memref<10240x16xf32, #tpu.memory_space<vmem_shared>> -> memref<80x16xf32, #tpu.memory_space<vmem_shared>>
      %dma_wait3A_59 = arith.constant 0 : i32
      %dma_wait3A_60 = tpu.memref_slice %arg6[%add3A_23, %dma_wait3A_59] : memref<10240x16xf32, #tpu.memory_space<vmem_shared>> -> memref<80x16xf32, #tpu.memory_space<vmem_shared>>
      tpu.wait_dma2 semaphore(%run_scoped3A : memref<!tpu.dma_semaphore, #tpu.memory_space<semaphore_mem>>) src(%arg5 : memref<80x16xf32, #tpu.memory_space<vmem>>) dst(%dma_wait3A_60 : memref<80x16xf32, #tpu.memory_space<vmem_shared>>)
      tpu.yield
    }) : () -> ()
    %mul3A_24 = arith.constant 640 : i32
    %mul3A_25 = arith.muli %arg1, %mul3A_24 : i32
    %add3A_26 = arith.constant 400 : i32
    %add3A_27 = arith.addi %mul3A_25, %add3A_26 : i32
    "tpu.region"() ({
      %run_scoped3A = tpu.sem_alloc : memref<!tpu.dma_semaphore, #tpu.memory_space<semaphore_mem>>
      %dma_start3A = arith.constant 0 : i32
      %dma_start3A_55 = tpu.memref_slice %arg6[%add3A_27, %dma_start3A] : memref<10240x16xf32, #tpu.memory_space<vmem_shared>> -> memref<80x16xf32, #tpu.memory_space<vmem_shared>>
      %dma_start3A_56 = arith.constant 0 : i32
      %dma_start3A_57 = tpu.memref_slice %arg6[%add3A_27, %dma_start3A_56] : memref<10240x16xf32, #tpu.memory_space<vmem_shared>> -> memref<80x16xf32, #tpu.memory_space<vmem_shared>>
      tpu.enqueue_dma source(%arg5 : memref<80x16xf32, #tpu.memory_space<vmem>>) target(%dma_start3A_57 : memref<80x16xf32, #tpu.memory_space<vmem_shared>>) target_semaphore(%run_scoped3A : memref<!tpu.dma_semaphore, #tpu.memory_space<semaphore_mem>>)
      %dma_wait3A = arith.constant 0 : i32
      %dma_wait3A_58 = tpu.memref_slice %arg6[%add3A_27, %dma_wait3A] : memref<10240x16xf32, #tpu.memory_space<vmem_shared>> -> memref<80x16xf32, #tpu.memory_space<vmem_shared>>
      %dma_wait3A_59 = arith.constant 0 : i32
      %dma_wait3A_60 = tpu.memref_slice %arg6[%add3A_27, %dma_wait3A_59] : memref<10240x16xf32, #tpu.memory_space<vmem_shared>> -> memref<80x16xf32, #tpu.memory_space<vmem_shared>>
      tpu.wait_dma2 semaphore(%run_scoped3A : memref<!tpu.dma_semaphore, #tpu.memory_space<semaphore_mem>>) src(%arg5 : memref<80x16xf32, #tpu.memory_space<vmem>>) dst(%dma_wait3A_60 : memref<80x16xf32, #tpu.memory_space<vmem_shared>>)
      tpu.yield
    }) : () -> ()
    %mul3A_28 = arith.constant 640 : i32
    %mul3A_29 = arith.muli %arg1, %mul3A_28 : i32
    %add3A_30 = arith.constant 480 : i32
    %add3A_31 = arith.addi %mul3A_29, %add3A_30 : i32
    "tpu.region"() ({
      %run_scoped3A = tpu.sem_alloc : memref<!tpu.dma_semaphore, #tpu.memory_space<semaphore_mem>>
      %dma_start3A = arith.constant 0 : i32
      %dma_start3A_55 = tpu.memref_slice %arg6[%add3A_31, %dma_start3A] : memref<10240x16xf32, #tpu.memory_space<vmem_shared>> -> memref<80x16xf32, #tpu.memory_space<vmem_shared>>
      %dma_start3A_56 = arith.constant 0 : i32
      %dma_start3A_57 = tpu.memref_slice %arg6[%add3A_31, %dma_start3A_56] : memref<10240x16xf32, #tpu.memory_space<vmem_shared>> -> memref<80x16xf32, #tpu.memory_space<vmem_shared>>
      tpu.enqueue_dma source(%arg5 : memref<80x16xf32, #tpu.memory_space<vmem>>) target(%dma_start3A_57 : memref<80x16xf32, #tpu.memory_space<vmem_shared>>) target_semaphore(%run_scoped3A : memref<!tpu.dma_semaphore, #tpu.memory_space<semaphore_mem>>)
      %dma_wait3A = arith.constant 0 : i32
      %dma_wait3A_58 = tpu.memref_slice %arg6[%add3A_31, %dma_wait3A] : memref<10240x16xf32, #tpu.memory_space<vmem_shared>> -> memref<80x16xf32, #tpu.memory_space<vmem_shared>>
      %dma_wait3A_59 = arith.constant 0 : i32
      %dma_wait3A_60 = tpu.memref_slice %arg6[%add3A_31, %dma_wait3A_59] : memref<10240x16xf32, #tpu.memory_space<vmem_shared>> -> memref<80x16xf32, #tpu.memory_space<vmem_shared>>
      tpu.wait_dma2 semaphore(%run_scoped3A : memref<!tpu.dma_semaphore, #tpu.memory_space<semaphore_mem>>) src(%arg5 : memref<80x16xf32, #tpu.memory_space<vmem>>) dst(%dma_wait3A_60 : memref<80x16xf32, #tpu.memory_space<vmem_shared>>)
      tpu.yield
    }) : () -> ()
    %mul3A_32 = arith.constant 640 : i32
    %mul3A_33 = arith.muli %arg1, %mul3A_32 : i32
    %add3A_34 = arith.constant 560 : i32
    %add3A_35 = arith.addi %mul3A_33, %add3A_34 : i32
    "tpu.region"() ({
      %run_scoped3A = tpu.sem_alloc : memref<!tpu.dma_semaphore, #tpu.memory_space<semaphore_mem>>
      %dma_start3A = arith.constant 0 : i32
      %dma_start3A_55 = tpu.memref_slice %arg6[%add3A_35, %dma_start3A] : memref<10240x16xf32, #tpu.memory_space<vmem_shared>> -> memref<80x16xf32, #tpu.memory_space<vmem_shared>>
      %dma_start3A_56 = arith.constant 0 : i32
      %dma_start3A_57 = tpu.memref_slice %arg6[%add3A_35, %dma_start3A_56] : memref<10240x16xf32, #tpu.memory_space<vmem_shared>> -> memref<80x16xf32, #tpu.memory_space<vmem_shared>>
      tpu.enqueue_dma source(%arg5 : memref<80x16xf32, #tpu.memory_space<vmem>>) target(%dma_start3A_57 : memref<80x16xf32, #tpu.memory_space<vmem_shared>>) target_semaphore(%run_scoped3A : memref<!tpu.dma_semaphore, #tpu.memory_space<semaphore_mem>>)
      %dma_wait3A = arith.constant 0 : i32
      %dma_wait3A_58 = tpu.memref_slice %arg6[%add3A_35, %dma_wait3A] : memref<10240x16xf32, #tpu.memory_space<vmem_shared>> -> memref<80x16xf32, #tpu.memory_space<vmem_shared>>
      %dma_wait3A_59 = arith.constant 0 : i32
      %dma_wait3A_60 = tpu.memref_slice %arg6[%add3A_35, %dma_wait3A_59] : memref<10240x16xf32, #tpu.memory_space<vmem_shared>> -> memref<80x16xf32, #tpu.memory_space<vmem_shared>>
      tpu.wait_dma2 semaphore(%run_scoped3A : memref<!tpu.dma_semaphore, #tpu.memory_space<semaphore_mem>>) src(%arg5 : memref<80x16xf32, #tpu.memory_space<vmem>>) dst(%dma_wait3A_60 : memref<80x16xf32, #tpu.memory_space<vmem_shared>>)
      tpu.yield
    }) : () -> ()
    %broadcast_in_dim3A_36 = arith.constant 1.000000e+00 : f32
    %broadcast_in_dim3A_37 = vector.broadcast %broadcast_in_dim3A_36 : f32 to vector<16xf32>
    %scan3A_38 = arith.constant 0 : i32
    %scan3A_39 = arith.constant 0 : i32
    %scan3A_40 = arith.constant 80 : i32
    %scan3A_41 = arith.addi %scan3A_39, %scan3A_40 : i32
    %scan3A_42 = arith.constant 1 : i32
    scf.for %scan3A_55 = %scan3A_39 to %scan3A_41 step %scan3A_42  : i32 {
      %swap3A = arith.index_cast %scan3A_55 : i32 to index
      %swap3A_56 = arith.constant 0 : index
      %swap3A_57 = tpu.vector_load %arg5[%swap3A, %swap3A_56] {strides = array<i32>} : memref<80x16xf32, #tpu.memory_space<vmem>>, vector<1x16xf32>,
      %swap3A_58 = vector.shape_cast %swap3A_57 : vector<1x16xf32> to vector<16xf32>
      %swap3A_59 = vector.shape_cast %broadcast_in_dim3A_37 : vector<16xf32> to vector<1x16xf32>
      tpu.vector_store %arg5[%swap3A, %swap3A_56], %swap3A_59 {strides = array<i32>} : memref<80x16xf32, #tpu.memory_space<vmem>>, vector<1x16xf32>,
    }
    %scan3A_43 = arith.constant 80 : i32
    %barrier3A = arith.constant 0 : index
    tpu.barrier barrier_id(%barrier3A)
    "tpu.region"() ({
      %run_scoped3A = tpu.sem_alloc : memref<!tpu.dma_semaphore, #tpu.memory_space<semaphore_mem>>
      %dma_start3A = arith.constant 0 : i32
      %dma_start3A_55 = arith.constant 0 : i32
      %dma_start3A_56 = tpu.memref_slice %arg2[%arg0, %arg1, %dma_start3A, %dma_start3A_55] : memref<2x16x125x80xi32, #tpu.memory_space<hbm>> -> memref<1x1x125x80xi32, #tpu.memory_space<hbm>>
      %dma_start3A_57 = tpu.memref_squeeze %dma_start3A_56 : memref<1x1x125x80xi32, #tpu.memory_space<hbm>> -> memref<125x80xi32, #tpu.memory_space<hbm>>
      %dma_start3A_58 = arith.constant 0 : i32
      %dma_start3A_59 = arith.constant 0 : i32
      %dma_start3A_60 = tpu.memref_slice %arg2[%arg0, %arg1, %dma_start3A_58, %dma_start3A_59] : memref<2x16x125x80xi32, #tpu.memory_space<hbm>> -> memref<1x1x125x80xi32, #tpu.memory_space<hbm>>
      %dma_start3A_61 = tpu.memref_squeeze %dma_start3A_60 : memref<1x1x125x80xi32, #tpu.memory_space<hbm>> -> memref<125x80xi32, #tpu.memory_space<hbm>>
      tpu.enqueue_dma source(%dma_start3A_61 : memref<125x80xi32, #tpu.memory_space<hbm>>) target(%arg4 : memref<125x80xi32, #tpu.memory_space<vmem>>) target_semaphore(%run_scoped3A : memref<!tpu.dma_semaphore, #tpu.memory_space<semaphore_mem>>)
      %dma_wait3A = arith.constant 0 : i32
      %dma_wait3A_62 = arith.constant 0 : i32
      %dma_wait3A_63 = tpu.memref_slice %arg2[%arg0, %arg1, %dma_wait3A, %dma_wait3A_62] : memref<2x16x125x80xi32, #tpu.memory_space<hbm>> -> memref<1x1x125x80xi32, #tpu.memory_space<hbm>>
      %dma_wait3A_64 = tpu.memref_squeeze %dma_wait3A_63 : memref<1x1x125x80xi32, #tpu.memory_space<hbm>> -> memref<125x80xi32, #tpu.memory_space<hbm>>
      %dma_wait3A_65 = arith.constant 0 : i32
      %dma_wait3A_66 = arith.constant 0 : i32
      %dma_wait3A_67 = tpu.memref_slice %arg2[%arg0, %arg1, %dma_wait3A_65, %dma_wait3A_66] : memref<2x16x125x80xi32, #tpu.memory_space<hbm>> -> memref<1x1x125x80xi32, #tpu.memory_space<hbm>>
      %dma_wait3A_68 = tpu.memref_squeeze %dma_wait3A_67 : memref<1x1x125x80xi32, #tpu.memory_space<hbm>> -> memref<125x80xi32, #tpu.memory_space<hbm>>
      tpu.wait_dma2 semaphore(%run_scoped3A : memref<!tpu.dma_semaphore, #tpu.memory_space<semaphore_mem>>) src(%dma_wait3A_68 : memref<125x80xi32, #tpu.memory_space<hbm>>) dst(%arg4 : memref<125x80xi32, #tpu.memory_space<vmem>>)
      tpu.yield
    }) : () -> ()
    %scan3A_44 = arith.constant 0 : i32
    %scan3A_45 = arith.constant 0 : i32
    %scan3A_46 = arith.constant 125 : i32
    %scan3A_47 = arith.addi %scan3A_45, %scan3A_46 : i32
    %scan3A_48 = arith.constant 1 : i32
    scf.for %scan3A_55 = %scan3A_45 to %scan3A_47 step %scan3A_48  : i32 {
      "tpu.region"() ({
        %run_scoped3A = tpu.sem_alloc : memref<!tpu.dma_semaphore, #tpu.memory_space<semaphore_mem>>
        %dma_start3A = arith.constant 0 : i32
        %dma_start3A_56 = tpu.memref_slice %arg4[%scan3A_55, %dma_start3A] : memref<125x80xi32, #tpu.memory_space<vmem>> -> memref<1x80xi32, #tpu.memory_space<vmem>>
        %dma_start3A_57 = tpu.memref_squeeze %dma_start3A_56 : memref<1x80xi32, #tpu.memory_space<vmem>> -> memref<80xi32, #tpu.memory_space<vmem>>
        %dma_start3A_58 = arith.constant 0 : i32
        %dma_start3A_59 = arith.constant 0 : i32
        %dma_start3A_60 = tpu.memref_slice %arg6[%dma_start3A_58, %dma_start3A_59] : memref<10240x16xf32, #tpu.memory_space<vmem_shared>> -> memref<10240x16xf32, #tpu.memory_space<vmem_shared>>
        tpu.enqueue_indirect_dma source(%arg5 : memref<80x16xf32, #tpu.memory_space<vmem>>) target(%dma_start3A_60 : memref<10240x16xf32, #tpu.memory_space<vmem_shared>>) offsets(%dma_start3A_57 : memref<80xi32, #tpu.memory_space<vmem>>) semaphore(%run_scoped3A : memref<!tpu.dma_semaphore, #tpu.memory_space<semaphore_mem>>) {add = true}
        %dma_wait3A = arith.constant 0 : i32
        %dma_wait3A_61 = tpu.memref_slice %arg4[%scan3A_55, %dma_wait3A] : memref<125x80xi32, #tpu.memory_space<vmem>> -> memref<1x80xi32, #tpu.memory_space<vmem>>
        %dma_wait3A_62 = tpu.memref_squeeze %dma_wait3A_61 : memref<1x80xi32, #tpu.memory_space<vmem>> -> memref<80xi32, #tpu.memory_space<vmem>>
        %dma_wait3A_63 = arith.constant 0 : i32
        %dma_wait3A_64 = arith.constant 0 : i32
        %dma_wait3A_65 = tpu.memref_slice %arg6[%dma_wait3A_63, %dma_wait3A_64] : memref<10240x16xf32, #tpu.memory_space<vmem_shared>> -> memref<10240x16xf32, #tpu.memory_space<vmem_shared>>
        tpu.wait_indirect_dma semaphore(%run_scoped3A : memref<!tpu.dma_semaphore, #tpu.memory_space<semaphore_mem>>) src(%arg5 : memref<80x16xf32, #tpu.memory_space<vmem>>) dst(%dma_wait3A_65 : memref<10240x16xf32, #tpu.memory_space<vmem_shared>>)
        tpu.yield
      }) : () -> ()
    }
    %scan3A_49 = arith.constant 125 : i32
    %barrier3A_50 = arith.constant 0 : index
    tpu.barrier barrier_id(%barrier3A_50)
    %mul3A_51 = arith.constant 640 : i32
    %mul3A_52 = arith.muli %arg1, %mul3A_51 : i32
    %mul3A_53 = arith.constant 640 : i32
    %mul3A_54 = arith.muli %arg1, %mul3A_53 : i32
    "tpu.region"() ({
      %run_scoped3A = tpu.sem_alloc : memref<!tpu.dma_semaphore, #tpu.memory_space<semaphore_mem>>
      %dma_start3A = arith.constant 0 : i32
      %dma_start3A_55 = tpu.memref_slice %arg3[%arg0, %mul3A_54, %dma_start3A] : memref<2x10240x16xf32, #tpu.memory_space<hbm>> -> memref<1x640x16xf32, #tpu.memory_space<hbm>>
      %dma_start3A_56 = tpu.memref_squeeze %dma_start3A_55 : memref<1x640x16xf32, #tpu.memory_space<hbm>> -> memref<640x16xf32, #tpu.memory_space<hbm>>
      %dma_start3A_57 = arith.constant 0 : i32
      %dma_start3A_58 = tpu.memref_slice %arg6[%mul3A_52, %dma_start3A_57] : memref<10240x16xf32, #tpu.memory_space<vmem_shared>> -> memref<640x16xf32, #tpu.memory_space<vmem_shared>>
      tpu.enqueue_dma source(%dma_start3A_58 : memref<640x16xf32, #tpu.memory_space<vmem_shared>>) target(%dma_start3A_56 : memref<640x16xf32, #tpu.memory_space<hbm>>) target_semaphore(%run_scoped3A : memref<!tpu.dma_semaphore, #tpu.memory_space<semaphore_mem>>)
      %dma_wait3A = arith.constant 0 : i32
      %dma_wait3A_59 = tpu.memref_slice %arg3[%arg0, %mul3A_54, %dma_wait3A] : memref<2x10240x16xf32, #tpu.memory_space<hbm>> -> memref<1x640x16xf32, #tpu.memory_space<hbm>>
      %dma_wait3A_60 = tpu.memref_squeeze %dma_wait3A_59 : memref<1x640x16xf32, #tpu.memory_space<hbm>> -> memref<640x16xf32, #tpu.memory_space<hbm>>
      %dma_wait3A_61 = arith.constant 0 : i32
      %dma_wait3A_62 = tpu.memref_slice %arg6[%mul3A_52, %dma_wait3A_61] : memref<10240x16xf32, #tpu.memory_space<vmem_shared>> -> memref<640x16xf32, #tpu.memory_space<vmem_shared>>
      tpu.wait_dma2 semaphore(%run_scoped3A : memref<!tpu.dma_semaphore, #tpu.memory_space<semaphore_mem>>) src(%dma_wait3A_62 : memref<640x16xf32, #tpu.memory_space<vmem_shared>>) dst(%dma_wait3A_60 : memref<640x16xf32, #tpu.memory_space<hbm>>)
      tpu.yield
    }) : () -> ()
    return
  }
}

module attributes {stable_mosaic.version = 14 : i64} {
  func.func @_mm1_body(%arg0: i32, %arg1: memref<1024x128xf32, #tpu.memory_space<vmem>>, %arg2: memref<128x128xf32, #tpu.memory_space<vmem>>, %arg3: memref<1024x128xf32, #tpu.memory_space<vmem>>) attributes {dimension_semantics = [#tpu.dimension_semantics<arbitrary>], iteration_bounds = array<i64: 10>, scalar_prefetch = 0 : i64, scratch_operands = 0 : i64, tpu.core_type = #tpu.core_type<tc>, window_params = [{transform_indices = @transform_0, window_bounds = array<i64: 1024, 128>}, {pipeline_mode = #tpu.pipeline_mode<synchronous>, transform_indices = @transform_1, window_bounds = array<i64: 128, 128>}, {transform_indices = @transform_2, window_bounds = array<i64: 1024, 128>}]} {
    %get3A = arith.constant 0 : index
    %get3A_0 = arith.constant 0 : index
    %get3A_1 = vector.load %arg1[%get3A, %get3A_0] : memref<1024x128xf32, #tpu.memory_space<vmem>>, vector<1024x128xf32>
    %get3A_2 = arith.constant 0 : index
    %get3A_3 = arith.constant 0 : index
    %get3A_4 = vector.load %arg2[%get3A_2, %get3A_3] : memref<128x128xf32, #tpu.memory_space<vmem>>, vector<128x128xf32>
    %dot_general3A = arith.constant dense<0.000000e+00> : vector<1024x128xf32>
    %dot_general3A_5 = tpu.matmul %get3A_1, %get3A_4, %dot_general3A {dimension_numbers = #tpu.dot_dimension_numbers<[1], [0], [0], [1], [0, 0, 1, 1], [], []>, transpose_lhs_hint = false} : vector<1024x128xf32>, vector<128x128xf32>, vector<1024x128xf32> -> vector<1024x128xf32>
    %swap3A = arith.constant 0 : index
    %swap3A_6 = arith.constant 0 : index
    %swap3A_7 = vector.load %arg3[%swap3A, %swap3A_6] : memref<1024x128xf32, #tpu.memory_space<vmem>>, vector<1024x128xf32>
    tpu.vector_store %arg3[%swap3A, %swap3A_6], %dot_general3A_5 {strides = array<i32>} : memref<1024x128xf32, #tpu.memory_space<vmem>>, vector<1024x128xf32>,
    return
  }
  func.func @transform_0(%arg0: i32) -> (i32, i32) {
    %c0_i32 = arith.constant 0 : i32
    %c0_i32_0 = arith.constant 0 : i32
    return %arg0, %c0_i32 : i32, i32
  }
  func.func @transform_1(%arg0: i32) -> (i32, i32) {
    %c0_i32 = arith.constant 0 : i32
    %c0_i32_0 = arith.constant 0 : i32
    %c0_i32_1 = arith.constant 0 : i32
    return %c0_i32, %c0_i32_0 : i32, i32
  }
  func.func @transform_2(%arg0: i32) -> (i32, i32) {
    %c0_i32 = arith.constant 0 : i32
    %c0_i32_0 = arith.constant 0 : i32
    return %arg0, %c0_i32 : i32, i32
  }
}

module attributes {stable_mosaic.version = 14 : i64} {
  func.func @_scale_body(%arg0: i32, %arg1: memref<1024x128xf32, #tpu.memory_space<vmem>>, %arg2: memref<1024x1xf32, #tpu.memory_space<vmem>>, %arg3: memref<1024x1xf32, #tpu.memory_space<vmem>>, %arg4: memref<1024x128xf32, #tpu.memory_space<vmem>>) attributes {dimension_semantics = [#tpu.dimension_semantics<arbitrary>], iteration_bounds = array<i64: 10>, scalar_prefetch = 0 : i64, scratch_operands = 0 : i64, tpu.core_type = #tpu.core_type<tc>, window_params = [{transform_indices = @transform_0, window_bounds = array<i64: 1024, 128>}, {transform_indices = @transform_1, window_bounds = array<i64: 1024, 1>}, {transform_indices = @transform_2, window_bounds = array<i64: 1024, 1>}, {transform_indices = @transform_3, window_bounds = array<i64: 1024, 128>}]} {
    %get3A = arith.constant 0 : index
    %get3A_0 = arith.constant 0 : index
    %get3A_1 = vector.load %arg2[%get3A, %get3A_0] : memref<1024x1xf32, #tpu.memory_space<vmem>>, vector<1024x1xf32>
    %get3A_2 = arith.constant 0 : index
    %get3A_3 = arith.constant 0 : index
    %get3A_4 = vector.load %arg3[%get3A_2, %get3A_3] : memref<1024x1xf32, #tpu.memory_space<vmem>>, vector<1024x1xf32>
    %add3A = arith.addf %get3A_1, %get3A_4 : vector<1024x1xf32>
    %add3A_5 = arith.constant 1.000000e+00 : f32
    %add3A_6 = vector.broadcast %add3A_5 : f32 to vector<1024x1xf32>
    %add3A_7 = arith.addf %add3A, %add3A_6 : vector<1024x1xf32>
    %rsqrt3A = math.rsqrt %add3A_7 : vector<1024x1xf32>
    %get3A_8 = arith.constant 0 : index
    %get3A_9 = arith.constant 0 : index
    %get3A_10 = vector.load %arg1[%get3A_8, %get3A_9] : memref<1024x128xf32, #tpu.memory_space<vmem>>, vector<1024x128xf32>
    %mul3A = vector.broadcast %rsqrt3A : vector<1024x1xf32> to vector<1024x128xf32>
    %mul3A_11 = arith.mulf %mul3A, %get3A_10 : vector<1024x128xf32>
    %swap3A = arith.constant 0 : index
    %swap3A_12 = arith.constant 0 : index
    %swap3A_13 = vector.load %arg4[%swap3A, %swap3A_12] : memref<1024x128xf32, #tpu.memory_space<vmem>>, vector<1024x128xf32>
    tpu.vector_store %arg4[%swap3A, %swap3A_12], %mul3A_11 {strides = array<i32>} : memref<1024x128xf32, #tpu.memory_space<vmem>>, vector<1024x128xf32>,
    return
  }
  func.func @transform_0(%arg0: i32) -> (i32, i32) {
    %c0_i32 = arith.constant 0 : i32
    %c0_i32_0 = arith.constant 0 : i32
    return %arg0, %c0_i32 : i32, i32
  }
  func.func @transform_1(%arg0: i32) -> (i32, i32) {
    %c0_i32 = arith.constant 0 : i32
    %c0_i32_0 = arith.constant 0 : i32
    return %arg0, %c0_i32 : i32, i32
  }
  func.func @transform_2(%arg0: i32) -> (i32, i32) {
    %c0_i32 = arith.constant 0 : i32
    %c0_i32_0 = arith.constant 0 : i32
    return %arg0, %c0_i32 : i32, i32
  }
  func.func @transform_3(%arg0: i32) -> (i32, i32) {
    %c0_i32 = arith.constant 0 : i32
    %c0_i32_0 = arith.constant 0 : i32
    return %arg0, %c0_i32 : i32, i32
  }
}

module attributes {stable_mosaic.version = 14 : i64} {
  func.func @_mid_body(%arg0: i32, %arg1: memref<2x1024x128xf32, #tpu.memory_space<vmem>>, %arg2: memref<1024x128xf32, #tpu.memory_space<vmem>>, %arg3: memref<1024x1xf32, #tpu.memory_space<vmem>>, %arg4: memref<1024x1xf32, #tpu.memory_space<vmem>>, %arg5: memref<128xf32, #tpu.memory_space<vmem>>, %arg6: memref<1024x128xf32, #tpu.memory_space<vmem>>) attributes {dimension_semantics = [#tpu.dimension_semantics<arbitrary>], iteration_bounds = array<i64: 10>, scalar_prefetch = 0 : i64, scratch_operands = 0 : i64, tpu.core_type = #tpu.core_type<tc>, window_params = [{transform_indices = @transform_0, window_bounds = array<i64: 2, 1024, 128>}, {transform_indices = @transform_1, window_bounds = array<i64: 1024, 128>}, {transform_indices = @transform_2, window_bounds = array<i64: 1024, 1>}, {transform_indices = @transform_3, window_bounds = array<i64: 1024, 1>}, {pipeline_mode = #tpu.pipeline_mode<synchronous>, transform_indices = @transform_4, window_bounds = array<i64: 128>}, {transform_indices = @transform_5, window_bounds = array<i64: 1024, 128>}]} {
    %get3A = arith.constant 0 : index
    %get3A_0 = arith.constant 0 : index
    %get3A_1 = vector.load %arg3[%get3A, %get3A_0] : memref<1024x1xf32, #tpu.memory_space<vmem>>, vector<1024x1xf32>
    %get3A_2 = arith.constant 0 : index
    %get3A_3 = arith.constant 0 : index
    %get3A_4 = vector.load %arg4[%get3A_2, %get3A_3] : memref<1024x1xf32, #tpu.memory_space<vmem>>, vector<1024x1xf32>
    %add3A = arith.addf %get3A_1, %get3A_4 : vector<1024x1xf32>
    %add3A_5 = arith.constant 1.000000e+00 : f32
    %add3A_6 = vector.broadcast %add3A_5 : f32 to vector<1024x1xf32>
    %add3A_7 = arith.addf %add3A, %add3A_6 : vector<1024x1xf32>
    %rsqrt3A = math.rsqrt %add3A_7 : vector<1024x1xf32>
    %get3A_8 = arith.constant 0 : index
    %get3A_9 = arith.constant 0 : index
    %get3A_10 = arith.constant 0 : index
    %get3A_11 = vector.load %arg1[%get3A_8, %get3A_9, %get3A_10] : memref<2x1024x128xf32, #tpu.memory_space<vmem>>, vector<1x1024x128xf32>
    %get3A_12 = vector.shape_cast %get3A_11 : vector<1x1024x128xf32> to vector<1024x128xf32>
    %get3A_13 = arith.constant 1 : index
    %get3A_14 = arith.constant 0 : index
    %get3A_15 = arith.constant 0 : index
    %get3A_16 = vector.load %arg1[%get3A_13, %get3A_14, %get3A_15] : memref<2x1024x128xf32, #tpu.memory_space<vmem>>, vector<1x1024x128xf32>
    %get3A_17 = vector.shape_cast %get3A_16 : vector<1x1024x128xf32> to vector<1024x128xf32>
    %add3A_18 = arith.addf %get3A_12, %get3A_17 : vector<1024x128xf32>
    %get3A_19 = arith.constant 0 : index
    %get3A_20 = arith.constant 0 : index
    %get3A_21 = vector.load %arg2[%get3A_19, %get3A_20] : memref<1024x128xf32, #tpu.memory_space<vmem>>, vector<1024x128xf32>
    %add3A_22 = arith.addf %add3A_18, %get3A_21 : vector<1024x128xf32>
    %mul3A = vector.broadcast %rsqrt3A : vector<1024x1xf32> to vector<1024x128xf32>
    %mul3A_23 = arith.mulf %mul3A, %add3A_22 : vector<1024x128xf32>
    %get3A_24 = arith.constant 0 : index
    %get3A_25 = vector.load %arg5[%get3A_24] : memref<128xf32, #tpu.memory_space<vmem>>, vector<128xf32>
    %broadcast_in_dim3A = vector.shape_cast %get3A_25 : vector<128xf32> to vector<1x128xf32>
    %add3A_26 = vector.broadcast %broadcast_in_dim3A : vector<1x128xf32> to vector<1024x128xf32>
    %add3A_27 = arith.addf %mul3A_23, %add3A_26 : vector<1024x128xf32>
    %max3A = arith.constant 0.000000e+00 : f32
    %max3A_28 = vector.broadcast %max3A : f32 to vector<1024x128xf32>
    %max3A_29 = arith.maximumf %add3A_27, %max3A_28 : vector<1024x128xf32>
    %mul3A_30 = vector.broadcast %rsqrt3A : vector<1024x1xf32> to vector<1024x128xf32>
    %mul3A_31 = arith.mulf %mul3A_30, %max3A_29 : vector<1024x128xf32>
    %swap3A = arith.constant 0 : index
    %swap3A_32 = arith.constant 0 : index
    %swap3A_33 = vector.load %arg6[%swap3A, %swap3A_32] : memref<1024x128xf32, #tpu.memory_space<vmem>>, vector<1024x128xf32>
    tpu.vector_store %arg6[%swap3A, %swap3A_32], %mul3A_31 {strides = array<i32>} : memref<1024x128xf32, #tpu.memory_space<vmem>>, vector<1024x128xf32>,
    return
  }
  func.func @transform_0(%arg0: i32) -> (i32, i32, i32) {
    %c0_i32 = arith.constant 0 : i32
    %c0_i32_0 = arith.constant 0 : i32
    %c0_i32_1 = arith.constant 0 : i32
    return %c0_i32, %arg0, %c0_i32_0 : i32, i32, i32
  }
  func.func @transform_1(%arg0: i32) -> (i32, i32) {
    %c0_i32 = arith.constant 0 : i32
    %c0_i32_0 = arith.constant 0 : i32
    return %arg0, %c0_i32 : i32, i32
  }
  func.func @transform_2(%arg0: i32) -> (i32, i32) {
    %c0_i32 = arith.constant 0 : i32
    %c0_i32_0 = arith.constant 0 : i32
    return %arg0, %c0_i32 : i32, i32
  }
  func.func @transform_3(%arg0: i32) -> (i32, i32) {
    %c0_i32 = arith.constant 0 : i32
    %c0_i32_0 = arith.constant 0 : i32
    return %arg0, %c0_i32 : i32, i32
  }
  func.func @transform_4(%arg0: i32) -> i32 {
    %c0_i32 = arith.constant 0 : i32
    %c0_i32_0 = arith.constant 0 : i32
    return %c0_i32 : i32
  }
  func.func @transform_5(%arg0: i32) -> (i32, i32) {
    %c0_i32 = arith.constant 0 : i32
    %c0_i32_0 = arith.constant 0 : i32
    return %arg0, %c0_i32 : i32, i32
  }
}

module attributes {stable_mosaic.version = 14 : i64} {
  func.func @_final_body(%arg0: i32, %arg1: memref<2x1024x128xf32, #tpu.memory_space<vmem>>, %arg2: memref<1024x128xf32, #tpu.memory_space<vmem>>, %arg3: memref<1024x1xf32, #tpu.memory_space<vmem>>, %arg4: memref<1024x1xf32, #tpu.memory_space<vmem>>, %arg5: memref<128x64xf32, #tpu.memory_space<vmem>>, %arg6: memref<64xf32, #tpu.memory_space<vmem>>, %arg7: memref<1024x64xf32, #tpu.memory_space<vmem>>) attributes {dimension_semantics = [#tpu.dimension_semantics<arbitrary>], iteration_bounds = array<i64: 10>, scalar_prefetch = 0 : i64, scratch_operands = 0 : i64, tpu.core_type = #tpu.core_type<tc>, window_params = [{transform_indices = @transform_0, window_bounds = array<i64: 2, 1024, 128>}, {transform_indices = @transform_1, window_bounds = array<i64: 1024, 128>}, {transform_indices = @transform_2, window_bounds = array<i64: 1024, 1>}, {transform_indices = @transform_3, window_bounds = array<i64: 1024, 1>}, {pipeline_mode = #tpu.pipeline_mode<synchronous>, transform_indices = @transform_4, window_bounds = array<i64: 128, 64>}, {pipeline_mode = #tpu.pipeline_mode<synchronous>, transform_indices = @transform_5, window_bounds = array<i64: 64>}, {transform_indices = @transform_6, window_bounds = array<i64: 1024, 64>}]} {
    %get3A = arith.constant 0 : index
    %get3A_0 = arith.constant 0 : index
    %get3A_1 = vector.load %arg3[%get3A, %get3A_0] : memref<1024x1xf32, #tpu.memory_space<vmem>>, vector<1024x1xf32>
    %get3A_2 = arith.constant 0 : index
    %get3A_3 = arith.constant 0 : index
    %get3A_4 = vector.load %arg4[%get3A_2, %get3A_3] : memref<1024x1xf32, #tpu.memory_space<vmem>>, vector<1024x1xf32>
    %add3A = arith.addf %get3A_1, %get3A_4 : vector<1024x1xf32>
    %add3A_5 = arith.constant 1.000000e+00 : f32
    %add3A_6 = vector.broadcast %add3A_5 : f32 to vector<1024x1xf32>
    %add3A_7 = arith.addf %add3A, %add3A_6 : vector<1024x1xf32>
    %rsqrt3A = math.rsqrt %add3A_7 : vector<1024x1xf32>
    %get3A_8 = arith.constant 0 : index
    %get3A_9 = arith.constant 0 : index
    %get3A_10 = arith.constant 0 : index
    %get3A_11 = vector.load %arg1[%get3A_8, %get3A_9, %get3A_10] : memref<2x1024x128xf32, #tpu.memory_space<vmem>>, vector<1x1024x128xf32>
    %get3A_12 = vector.shape_cast %get3A_11 : vector<1x1024x128xf32> to vector<1024x128xf32>
    %get3A_13 = arith.constant 1 : index
    %get3A_14 = arith.constant 0 : index
    %get3A_15 = arith.constant 0 : index
    %get3A_16 = vector.load %arg1[%get3A_13, %get3A_14, %get3A_15] : memref<2x1024x128xf32, #tpu.memory_space<vmem>>, vector<1x1024x128xf32>
    %get3A_17 = vector.shape_cast %get3A_16 : vector<1x1024x128xf32> to vector<1024x128xf32>
    %add3A_18 = arith.addf %get3A_12, %get3A_17 : vector<1024x128xf32>
    %get3A_19 = arith.constant 0 : index
    %get3A_20 = arith.constant 0 : index
    %get3A_21 = vector.load %arg2[%get3A_19, %get3A_20] : memref<1024x128xf32, #tpu.memory_space<vmem>>, vector<1024x128xf32>
    %add3A_22 = arith.addf %add3A_18, %get3A_21 : vector<1024x128xf32>
    %get3A_23 = arith.constant 0 : index
    %get3A_24 = arith.constant 0 : index
    %get3A_25 = vector.load %arg5[%get3A_23, %get3A_24] : memref<128x64xf32, #tpu.memory_space<vmem>>, vector<128x64xf32>
    %dot_general3A = arith.constant dense<0.000000e+00> : vector<1024x64xf32>
    %dot_general3A_26 = tpu.matmul %add3A_22, %get3A_25, %dot_general3A {dimension_numbers = #tpu.dot_dimension_numbers<[1], [0], [0], [1], [0, 0, 1, 1], [], []>, transpose_lhs_hint = false} : vector<1024x128xf32>, vector<128x64xf32>, vector<1024x64xf32> -> vector<1024x64xf32>
    %mul3A = vector.broadcast %rsqrt3A : vector<1024x1xf32> to vector<1024x64xf32>
    %mul3A_27 = arith.mulf %mul3A, %dot_general3A_26 : vector<1024x64xf32>
    %get3A_28 = arith.constant 0 : index
    %get3A_29 = vector.load %arg6[%get3A_28] : memref<64xf32, #tpu.memory_space<vmem>>, vector<64xf32>
    %broadcast_in_dim3A = vector.shape_cast %get3A_29 : vector<64xf32> to vector<1x64xf32>
    %add3A_30 = vector.broadcast %broadcast_in_dim3A : vector<1x64xf32> to vector<1024x64xf32>
    %add3A_31 = arith.addf %mul3A_27, %add3A_30 : vector<1024x64xf32>
    %swap3A = arith.constant 0 : index
    %swap3A_32 = arith.constant 0 : index
    %swap3A_33 = vector.load %arg7[%swap3A, %swap3A_32] : memref<1024x64xf32, #tpu.memory_space<vmem>>, vector<1024x64xf32>
    tpu.vector_store %arg7[%swap3A, %swap3A_32], %add3A_31 {strides = array<i32>} : memref<1024x64xf32, #tpu.memory_space<vmem>>, vector<1024x64xf32>,
    return
  }
  func.func @transform_0(%arg0: i32) -> (i32, i32, i32) {
    %c0_i32 = arith.constant 0 : i32
    %c0_i32_0 = arith.constant 0 : i32
    %c0_i32_1 = arith.constant 0 : i32
    return %c0_i32, %arg0, %c0_i32_0 : i32, i32, i32
  }
  func.func @transform_1(%arg0: i32) -> (i32, i32) {
    %c0_i32 = arith.constant 0 : i32
    %c0_i32_0 = arith.constant 0 : i32
    return %arg0, %c0_i32 : i32, i32
  }
  func.func @transform_2(%arg0: i32) -> (i32, i32) {
    %c0_i32 = arith.constant 0 : i32
    %c0_i32_0 = arith.constant 0 : i32
    return %arg0, %c0_i32 : i32, i32
  }
  func.func @transform_3(%arg0: i32) -> (i32, i32) {
    %c0_i32 = arith.constant 0 : i32
    %c0_i32_0 = arith.constant 0 : i32
    return %arg0, %c0_i32 : i32, i32
  }
  func.func @transform_4(%arg0: i32) -> (i32, i32) {
    %c0_i32 = arith.constant 0 : i32
    %c0_i32_0 = arith.constant 0 : i32
    %c0_i32_1 = arith.constant 0 : i32
    return %c0_i32, %c0_i32_0 : i32, i32
  }
  func.func @transform_5(%arg0: i32) -> i32 {
    %c0_i32 = arith.constant 0 : i32
    %c0_i32_0 = arith.constant 0 : i32
    return %c0_i32 : i32
  }
  func.func @transform_6(%arg0: i32) -> (i32, i32) {
    %c0_i32 = arith.constant 0 : i32
    %c0_i32_0 = arith.constant 0 : i32
    return %arg0, %c0_i32 : i32, i32
  }
}

</mosaic_0001>

<sc_bundles>
// kernel: kernel.12.cloned.1.call-start
scs
__scs_entry_jumppad:
0x0: {  	(pc) =	sbr.rel $0x88, $3  }
0x1: {  	(tag) =	ssettag $0x0;
	lr =	simm.s32 $0x1  }
0x2: {  	[smem:$0x3F9B] =	sst lr;
	_ =	strace $0xD0000000  }
0x3: {  	_ = 	snop  }
0x4: {  	_ = 	snop  }
0x5: {  	_ = 	snop  }
0x6: {  	_ = 	snop  }
0x7: {  	_ = 	snop  }
__scs_overlays_trampoline_lowered:
0x8: {  	[smem:$0x3FAA] =	sst s0  }
0x9: {  	[smem:$0x3FAB] =	sst s1  }
0xa: {  	[smem:$0x3FAC] =	sst s2  }
0xb: {  	[smem:$0x3FAD] =	sst s3  }
0xc: {  	[smem:$0x3FAE] =	sst s4  }
0xd: {  	[smem:$0x3FAF] =	sst s5  }
0xe: {  	[smem:$0x3FB0] =	sst s6  }
0xf: {  	[smem:$0x3FB1] =	sst s7  }
0x10: {  	[smem:$0x3FB2] =	sst s8  }
0x11: {  	[smem:$0x3FB3] =	sst s9;
	s0 =	simm.s32 @!p0 $0x0  }
0x12: {  	s1 =	sld [smem:$0x3F99];
	s0 =	simm.s32 @p0 $0x1  }
0x13: {  	[smem:$0x3FB4] =	sst s0;
	s0 =	simm.s32 @!p1 $0x0  }
0x14: {  	s2 =	sld [smem:$0x3F98];
	s0 =	simm.s32 @p1 $0x1  }
0x15: {  	[smem:$0x3FB5] =	sst s0;
	s0 =	simm.s32 @!p2 $0x0  }
0x16: {  	s3 =	sld [smem:$0x3FDB];
	s0 =	simm.s32 @p2 $0x1  }
0x17: {  	s4 =	simm.s32 $0x1BF5;
	[smem:$0x3FB7] =	sst s0  }
0x18: {  	s0 =	sld [smem:$0x3F9A];
	_ =	swait.ge [sflag:s4], $0x0  }
0x19: {  	s7 =	sld [smem:$0x3F9B]  }
0x1a: {  	s8 =	sadd.s32 $0xFFFFE003, lr  }
0x1b: {  	s9 =	sadd.s32 $0xFFFFFEF7, lr;
	s5 =	simm.s32 $0xFFFFFFFF;
	p2 =	slt.u32 s8, $0xFFFFF086  }
0x1c: {  	p1 =	slt.u32 s9, $0xF7A;
	s5 =	simm.s32 @!p2 $0x0  }
0x1d: {  	s5 =	simm.s32 @p1 $0x1;
	p0 =	seq.s32 s7, s2  }
0x1e: {  	s7 =	smul.u32 @!p0 $0xF7A, s2;
	p2 =	seq.s32 @!p0 s5, $0x0  }
0x1f: {  	s9 =	smul.u32 $0xF7A, s1;
	s8 =	simm.s32 @!p0 $0x1BF5;
	p2 =	por !p2, p0  }
0x20: {  	[sflag:s8] =	ssyncset.s32 @!p0 $0xFFFFF086;
	s6 =	sadd.s32 @!p0 s3, s7;
	s7 =	simm.s32 @!p0 $0x108  }
0x21: {  	s3 =	sadd.s32 s3, s9;
	s6 =	sadd.s32 @!p0 $0x88, s6;
	s7 =	simm.s32 @p2 $0x1082  }
0x22: {  	[simem:s7], [sflag:s8] =	dma.local @!p0 [hbm:s6], $0xF7A  }
0x23: {  	s9 =	sor.u32 $0xD0000000, s2;
	s6 =	simm.s32 $0x108;
	_ =	swait.ge @!p0 [sflag:s8], $0x0  }
0x24: {  	s3 =	sadd.s32 $0x88, s3;
	s6 =	simm.s32 @!p1 $0x1082;
	[sflag:s4] =	ssyncset.s32 $0xFFFFF086  }
0x25: {  	[simem:s6], [sflag:s4] =	dma.local [hbm:s3], $0xF7A  }
0x26: {  	[smem:$0x3F9B] =	sst s1;
	(tag) =	ssettag s2;
	_ =	strace s9  }
0x27: {  	s1 =	sld [smem:$0x3FAB]  }
0x28: {  	s2 =	sld [smem:$0x3FAC]  }
0x29: {  	s4 =	sld [smem:$0x3FAE]  }
0x2a: {  	p0 =	seq.s32 s5, $0x0;
	s5 =	sld [smem:$0x3FAF]  }
0x2b: {  	s6 =	sld [smem:$0x3FB0]  }
0x2c: {  	s7 =	sld [smem:$0x3FB1]  }
0x2d: {  	s3 =	simm.s32 $0x108;
	s8 =	sld [smem:$0x3FB2]  }
0x2e: {  	s3 =	simm.s32 @!p0 $0x1082;
	s9 =	sld [smem:$0x3FB3]  }
0x2f: {  	lr =	sadd.s32 s0, s3;
	s0 =	sld [smem:$0x3FAA]  }
0x30: {  	s3 =	sld [smem:$0x3FAD]  }
0x31: {  	[smem:$0x3FB6] =	sst s10  }
0x32: {  	s10 =	sld [smem:$0x3FB4];
	_ =	sdelay $0x3  }
0x33: {  	p0 =	seq.s32 s10, $0x1;
	s10 =	sld [smem:$0x3FB6];
	_ =	sdelay $0x3  }
0x34: {  	[smem:$0x3FB6] =	sst s10  }
0x35: {  	s10 =	sld [smem:$0x3FB5];
	_ =	sdelay $0x3  }
0x36: {  	p1 =	seq.s32 s10, $0x1;
	s10 =	sld [smem:$0x3FB6];
	_ =	sdelay $0x3  }
0x37: {  	[smem:$0x3FB6] =	sst s10  }
0x38: {  	s10 =	sld [smem:$0x3FB7]  }
0x39: {  	_ = 	snop;
	(pc) =	sbr.ind lr, $3  }
0x3a: {  	_ = 	snop  }
0x3b: {  	_ = 	snop  }
0x3c: {  	p2 =	seq.s32 s10, $0x1;
	s10 =	sld [smem:$0x3FB6]  }
0x3d: {  	_ =	shalt  }
0x3e: {  	_ =	shalt  }
0x3f: {  	_ =	shalt  }
0x40: {  	_ =	shalt  }
0x41: {  	_ =	shalt  }
0x42: {  	_ =	shalt  }
0x43: {  	_ =	shalt  }
0x44: {  	_ =	shalt  }
0x45: {  	_ =	shalt  }
0x46: {  	_ =	shalt  }
0x47: {  	_ =	shalt  }
0x48: {  	_ =	shalt  }
0x49: {  	_ =	shalt  }
0x4a: {  	_ =	shalt  }
0x4b: {  	_ =	shalt  }
0x4c: {  	_ =	shalt  }
0x4d: {  	_ =	shalt  }
0x4e: {  	_ =	shalt  }
0x4f: {  	_ =	shalt  }
0x50: {  	_ =	shalt  }
0x51: {  	_ =	shalt  }
0x52: {  	_ =	shalt  }
0x53: {  	_ =	shalt  }
0x54: {  	_ =	shalt  }
0x55: {  	_ =	shalt  }
0x56: {  	_ =	shalt  }
0x57: {  	_ =	shalt  }
0x58: {  	_ =	shalt  }
0x59: {  	_ =	shalt  }
0x5a: {  	_ =	shalt  }
0x5b: {  	_ =	shalt  }
0x5c: {  	_ =	shalt  }
0x5d: {  	_ =	shalt  }
0x5e: {  	_ =	shalt  }
0x5f: {  	_ =	shalt  }
0x60: {  	_ =	shalt  }
0x61: {  	_ =	shalt  }
0x62: {  	_ =	shalt  }
0x63: {  	_ =	shalt  }
0x64: {  	_ =	shalt  }
0x65: {  	_ =	shalt  }
0x66: {  	_ =	shalt  }
0x67: {  	_ =	shalt  }
0x68: {  	_ =	shalt  }
0x69: {  	_ =	shalt  }
0x6a: {  	_ =	shalt  }
0x6b: {  	_ =	shalt  }
0x6c: {  	_ =	shalt  }
0x6d: {  	_ =	shalt  }
0x6e: {  	_ =	shalt  }
0x6f: {  	_ =	shalt  }
0x70: {  	_ =	shalt  }
0x71: {  	_ =	shalt  }
0x72: {  	_ =	shalt  }
0x73: {  	_ =	shalt  }
0x74: {  	_ =	shalt  }
0x75: {  	_ =	shalt  }
0x76: {  	_ =	shalt  }
0x77: {  	_ =	shalt  }
0x78: {  	_ =	shalt  }
0x79: {  	_ =	shalt  }
0x7a: {  	_ =	shalt  }
0x7b: {  	_ =	shalt  }
0x7c: {  	_ =	shalt  }
0x7d: {  	_ =	shalt  }
0x7e: {  	_ =	shalt  }
0x7f: {  	_ =	shalt  }
0x80: {  	_ =	shalt  }
0x81: {  	_ =	shalt  }
0x82: {  	_ =	shalt  }
0x83: {  	_ =	shalt  }
0x84: {  	_ =	shalt  }
0x85: {  	_ =	shalt  }
0x86: {  	_ =	shalt  }
0x87: {  	_ =	shalt  }
.Lfunc_end0:
.L_simem_size_0:
called_computation.1_lowered:
.L_overlay_start_0:
0x88: {  	s2 =	sld [smem:$0x3FD9]  }
0x89: {  	s3 =	sld [smem:$0x3FFE];
	_ =	sdelay $0x1  }
0x8a: {  	s1 =	srdreg.scid  }
0x8b: {  	s0 =	sand.u32 $0x1, s1  }
0x8c: {  	s17 =	sshll.u32 s0, $0xA;
	s2 =	sadd.s32 s3, s2  }
0x8d: {  	s2 =	sadd.s32 s2, s17  }
0x8e: {  	[smem:$0x3FC2] =	sst s2  }
0x8f: {  	_ = 	snop  }
0x90: {  	s2 =	sld [smem:$0x3FD0];
	(tm) =	ssettm $0x1  }
0x91: {  	s18 =	sld [smem:$0x3FFB];
	_ =	sdelay $0x3  }
0x92: {  	_ =	strace s18  }
0x93: {  	s3 =	sld [smem:$0x3FFC];
	_ =	sdelay $0x3  }
0x94: {  	_ =	strace s3  }
0x95: {  	s3 =	sld [smem:$0x3FFD];
	_ =	sdelay $0x3  }
0x96: {  	_ =	strace s3  }
0x97: {  	_ =	strace $0x8FFFFFFF  }
0x98: {  	s19 =	sld [smem:$0x3FDB];
	_ =	sdelay $0x1  }
0x99: {  	s4 =	simm.s32 $_scs_section_size  }
0x9a: {  	s5 =	simm.s32 $_size__tile_overlayer_lowered;
	s6 =	simm.s32 $_tile_overlayer_lowered  }
0x9b: {  	s22 =	simm.s32 $0x1BFF;
	s21 =	sshll.u32 s6, $0x1;
	s3 =	sadd.s32 s4, s19  }
0x9c: {  	s7 =	simm.s32 $0x0;
	s20 =	sshll.u32 s5, $0x1;
	s5 =	sadd.s32 s21, s3  }
0x9d: {  	[timem:s7], [sflag:s22] =	dma.local [hbm:s5], s20  }
0x9e: {  	_ =	swait.ge [sflag:s22], s20  }
0x9f: {  	s4 =	ssub.s32 $0x0, s20;
	[sflag:s22] =	ssyncset.done $0x0  }
0xa0: {  	[sflag:s22] =	ssyncadd.s32 s4;
	_ =	sdelay $0x1  }
0xa1: {  	s23 =	simm.s32 $0x1B8B  }
0xa2: {  	_ =	swait.ge [sflag:s23], $0x1  }
0xa3: {  	[sflag:s23] =	ssyncset.done $0x0  }
0xa4: {  	s25 =	simm.s32 $0x1B8E;
	s24 =	sld [smem:$0x3FFE];
	[sflag:s23] =	ssyncadd.s32 $0xFFFFFFFF  }
0xa5: {  	s26 =	simm.s32 $execute0_lowered;
	[smem:$0x3FD2] =	sst s25  }
0xa6: {  	s5 =	sshll.u32 s26, $0x1;
	_ =	strace $0x80000049;
	[dreg:$0x1] =	wrdreg $0xFFFFFFFF  }
0xa7: {  	s28 =	simm.s32 $_size_execute0_lowered;
	s3 =	sadd.s32 s3, s5;
	[dreg:$0x0] =	wrdreg $0x0  }
0xa8: {  	s5 =	sshll.u32 s28, $0x1;
	[dreg:$0x2] =	wrdreg s3  }
0xa9: {  	[dreg:$0x3] =	wrdreg s5  }
0xaa: {  	[dreg:$0x4] =	wrdreg $0xC0  }
0xab: {  	_ =	task [dreg:s7], $0x5FFFF  }
0xac: {  	[dreg:$0x1] =	wrdreg $0xFFFFFFFF  }
0xad: {  	[dreg:$0x0] =	wrdreg $0x60  }
0xae: {  	[dreg:$0x2] =	wrdreg s2  }
0xaf: {  	[dreg:$0x3] =	wrdreg s24  }
0xb0: {  	[dreg:$0x4] =	wrdreg $0xA8000  }
0xb1: {  	[dreg:$0x5] =	wrdreg $0x9  }
0xb2: {  	_ =	task.clear_ibuf [dreg:s7], $0x6FFFF;
	_ =	strace $0x90000049  }
0xb3: {  	s29 =	simm.s32 $0x9;
	_ =	strace $0x8000004B  }
0xb4: {  	_ =	swait.ge [sflag:s29], $0x1  }
0xb5: {  	[sflag:s29] =	ssyncadd.s32 $0xFFFFFFFF  }
0xb6: {  	_ =	strace $0x9000004B  }
0xb7: {  	_ =	sfence  }
0xb8: {  	s30 =	sld [smem:$0x0];
	_ =	sdelay $0x2  }
0xb9: {  	s31 =	sshll.u32 s1, $0xD;
	s1 =	sshrl.u32 s1, $0x2  }
0xba: {  	s3 =	sand.u32 $0x4000, s31;
	s1 =	sadd.s32 s1, s30  }
0xbb: {  	s0 =	sor.u32 s3, s0;
	s1 =	sshll.u32 s1, $0x11  }
0xbc: {  	s0 =	sor.u32 s1, s0  }
0xbd: {  	s0 =	sadd.s32 $0x8F2B, s0  }
0xbe: {  	[sflag:s0] =	ssyncadd.remote.s32 $0x1  }
0xbf: {  	_ =	sfence.sel $0xFFFF  }
0xc0: {  	[dreg:$0x0] =	wrdreg $0xFFFFFFFF;
	(pc) =	sbr.abs _section_cstart, $3  }
0xc1: {  	[dreg:$0x1] =	wrdreg $0xFFFFFFFF  }
0xc2: {  	_ =	task.clear_ibuf [dreg:s7], $0x2FFFF;
	_ =	strace $0x9FFFFFFF  }
0xc3: {  	(tm) =	ssettm $0x7FFFFFFF  }
tec
execute0_lowered:
.L_overlay_start_1:
0x0: {  	(tag) =	ssettag $0x1  }
0x1: {  	s13 =	rddreg [dreg:$0x0]  }
0x2: {  	s5 =	rddreg [dreg:$0x1]  }
0x3: {  	s1 =	rddreg [dreg:$0x2]  }
0x4: {  	s0 =	rddreg [dreg:$0x3]  }
0x5: {  	s3 =	simm.s32 $0x0;
	s2 =	srdreg.scid;
	s18 =	simm.s32 $0x1  }
0x6: {  	s19 =	simm.s32 $0x4000;
	[smem:$0x7FF] =	sst s3;
	s6 =	sand.u32 $0x1, s2  }
0x7: {  	s20 =	simm.s32 $0x50;
	s2 =	stileid.u32;
	s7 =	smul.u32 $0x140000, s6  }
0x8: {  	s4 =	sshll.u32 s6, $0xF;
	s8 =	sshll.u32 s2, $0xB;
	s9 =	smul.u32 $0x14000, s2  }
0x9: {  	_ =	strace $0x8000004A;
	s30 =	smul.u32 $0x50000, s2;
	s6 =	ssub.s32 $0x2, s6  }
0xa: {  	s21 =	sshll.u32 s2, $0x6;
	s14 =	sor.u32 s8, s4;
	s4 =	sadd.s32 $0x11E00, s5  }
0xb: {  	s31 =	sshrl.u32 s6, $0x1;
	s21 =	sor.u32 $0x1C01, s21;
	s7 =	sadd.s32 s9, s7  }
0xc: {  	s15 =	sadd.s32 s14, s5;
	s8 =	sshrl.u32 s30, $0x2;
	s7 =	sshrl.u32 s7, $0x3  }
0xd: {  	s17 =	ssub.s32 s6, s31;
	s16 =	sadd.s32 s7, s5;
	s5 =	sadd.s32 s8, s1  }
0xe: {  	s13 =	sadd.s32 s13, s14;
	s14 =	sadd.s32 $0x1E00, s15;
	s6 =	sadd.s32 $0x2800, s5  }
0xf: {  	s7 =	sadd.s32 $0x5000, s5;
	s8 =	sadd.s32 $0x7800, s5;
	s9 =	sadd.s32 $0xA000, s5  }
0x10: {  	s10 =	sadd.s32 $0xC800, s5;
	s11 =	sadd.s32 $0xF000, s5;
	s12 =	sadd.s32 $0x11800, s5  }
0x11: {  	v0 =	vimm.f32 $0.0e+00;
	s15 =	sadd.s32 $0x39000, s16;
	s16 =	smax.u32 s17, $0x1;
	s17 =	simm.s32 $0x8000  }
.LBB2_1:
0x12: {  	s22 =	simm.s32 $0x0;
	s23 =	simm.s32 $0x200  }
.LBB2_2:
0x13: {  	p0 =	sne.s32 s23, $0x9E00;
	[tilespmem:s22+$0x8070] =	vst v0  }
0x14: {  	[tilespmem:s22+$0x8000] =	vst v0  }
0x15: {  	[tilespmem:s22+$0x8010] =	vst v0  }
.Ltmp0:
0x16: {  	[tilespmem:s22+$0x8020] =	vst v0;
	(pc) =	sbr.rel @p0 .LBB2_2-.Ltmp0, $4  }
0x17: {  	[tilespmem:s22+$0x8030] =	vst v0  }
0x18: {  	[tilespmem:s22+$0x8040] =	vst v0  }
0x19: {  	[tilespmem:s22+$0x8050] =	vst v0  }
0x1a: {  	[tilespmem:s22+$0x8060] =	vst v0;
	s22 =	sshra.s32 s23, $0x2;
	s23 =	sadd.s32 $0x200, s23  }
0x1b: {  	[tilespmem:s22+$0x8070] =	vst v0  }
0x1c: {  	[tilespmem:s22+$0x8000] =	vst v0  }
0x1d: {  	[tilespmem:s22+$0x8010] =	vst v0  }
0x1e: {  	[tilespmem:s22+$0x8020] =	vst v0  }
0x1f: {  	[tilespmem:s22+$0x8030] =	vst v0  }
0x20: {  	[tilespmem:s22+$0x8040] =	vst v0  }
0x21: {  	[tilespmem:s22+$0x8050] =	vst v0  }
0x22: {  	[tilespmem:s22+$0x8060] =	vst v0  }
0x23: {  	[spmem:s5] =	stream.linear.scatter [tilespmem:s17], [sflag:$0x1], $0x2800, $0x38;
	[tilespmem:$0x1E800] =	vst v63  }
0x24: {  	_ =	swait.ge [sflag:s18], $0x2800  }
0x25: {  	[sflag:s18] =	ssyncset.done $0x0  }
0x26: {  	[sflag:s18] =	ssyncadd.s32 $0xFFFFD800  }
0x27: {  	[spmem:s6] =	stream.linear.scatter [tilespmem:s17], [sflag:$0x1], $0x2800, $0x38;
	[tilespmem:$0x1E800] =	vst v63  }
0x28: {  	_ =	swait.ge [sflag:s18], $0x2800  }
0x29: {  	[sflag:s18] =	ssyncset.done $0x0  }
0x2a: {  	[sflag:s18] =	ssyncadd.s32 $0xFFFFD800  }
0x2b: {  	[spmem:s7] =	stream.linear.scatter [tilespmem:s17], [sflag:$0x1], $0x2800, $0x38;
	[tilespmem:$0x1E800] =	vst v63  }
0x2c: {  	_ =	swait.ge [sflag:s18], $0x2800  }
0x2d: {  	[sflag:s18] =	ssyncset.done $0x0  }
0x2e: {  	[sflag:s18] =	ssyncadd.s32 $0xFFFFD800  }
0x2f: {  	[spmem:s8] =	stream.linear.scatter [tilespmem:s17], [sflag:$0x1], $0x2800, $0x38;
	[tilespmem:$0x1E800] =	vst v63  }
0x30: {  	_ =	swait.ge [sflag:s18], $0x2800  }
0x31: {  	[sflag:s18] =	ssyncset.done $0x0  }
0x32: {  	[sflag:s18] =	ssyncadd.s32 $0xFFFFD800  }
0x33: {  	[spmem:s9] =	stream.linear.scatter [tilespmem:s17], [sflag:$0x1], $0x2800, $0x38;
	[tilespmem:$0x1E800] =	vst v63  }
0x34: {  	_ =	swait.ge [sflag:s18], $0x2800  }
0x35: {  	[sflag:s18] =	ssyncset.done $0x0  }
0x36: {  	[sflag:s18] =	ssyncadd.s32 $0xFFFFD800  }
0x37: {  	[spmem:s10] =	stream.linear.scatter [tilespmem:s17], [sflag:$0x1], $0x2800, $0x38;
	[tilespmem:$0x1E800] =	vst v63  }
0x38: {  	_ =	swait.ge [sflag:s18], $0x2800  }
0x39: {  	[sflag:s18] =	ssyncset.done $0x0  }
0x3a: {  	[sflag:s18] =	ssyncadd.s32 $0xFFFFD800  }
0x3b: {  	[spmem:s11] =	stream.linear.scatter [tilespmem:s17], [sflag:$0x1], $0x2800, $0x38;
	[tilespmem:$0x1E800] =	vst v63  }
0x3c: {  	_ =	swait.ge [sflag:s18], $0x2800  }
0x3d: {  	[sflag:s18] =	ssyncset.done $0x0  }
0x3e: {  	[sflag:s18] =	ssyncadd.s32 $0xFFFFD800  }
0x3f: {  	[spmem:s12] =	stream.linear.scatter [tilespmem:s17], [sflag:$0x1], $0x2800, $0x38;
	[tilespmem:$0x1E800] =	vst v63  }
0x40: {  	_ =	swait.ge [sflag:s18], $0x2800  }
0x41: {  	[sflag:s18] =	ssyncset.done $0x0  }
0x42: {  	[sflag:s18] =	ssyncadd.s32 $0xFFFFD800  }
0x43: {  	s29 =	simm.s32 $0x0;
	[bflag:$0x0] =	sbarrier.arrive $0xFFFF  }
0x44: {  	[tilespmem:s29], [sflag:$0x1] =	stream.linear.gather [hbm4b:s13+s29], $0x3E80, $0x38;
	[tilespmem:$0x1E800] =	vst v63  }
0x45: {  	_ =	swait.ge [sflag:s18], $0x3E80  }
0x46: {  	[sflag:s18] =	ssyncset.done $0x0  }
0x47: {  	[sflag:s18] =	ssyncadd.s32 $0xFFFFC180  }
0x48: {  	[tilespmem:s19], [sflag:$0x1] =	stream.linear.gather [hbm4b:s14+s29], $0x3E80, $0x38;
	[tilespmem:$0x1E800] =	vst v63  }
0x49: {  	_ =	swait.ge [sflag:s18], $0x3E80  }
0x4a: {  	[sflag:s18] =	ssyncset.done $0x0  }
0x4b: {  	s30 =	simm.s32 $0x0;
	[sflag:s18] =	ssyncadd.s32 $0xFFFFC180  }
0x4c: {  	[tilespmem:s17], [sflag:$0x1] =	stream.indirect.gather [hbm4b:s4+s20], $0x80, s30, s20, $0xb8;
	[tilespmem:$0x1E800] =	vst v63  }
0x4d: {  	_ =	swait.ge [sflag:s18], $0x2800  }
0x4e: {  	[sflag:s18] =	ssyncset.done $0x0  }
0x4f: {  	s31 =	simm.s32 $0x4000;
	[sflag:s18] =	ssyncadd.s32 $0xFFFFD800  }
0x50: {  	[spmem:s1] =	stream.indirect.scatter.add.f32 [tilespmem:s17], [sflag:$0x1], $0x80, s31, s20, $0xb8;
	[tilespmem:$0x1E800] =	vst v63  }
0x51: {  	_ =	swait.ge [sflag:s18], $0x2800  }
0x52: {  	s22 =	simm.s32 $0x200;
	s23 =	simm.s32 $0x400;
	[sflag:s18] =	ssyncset.done $0x0  }
.LBB2_4:
0x53: {  	s24 =	sshra.s32 s22, $0x2  }
0x54: {  	[sflag:s18] =	ssyncadd.s32 $0xFFFFD800;
	s22 =	smov.u32 s23;
	s25 =	sadd.s32 $0x200, s23  }
0x55: {  	[tilespmem:s17], [sflag:$0x1] =	stream.indirect.gather [hbm4b:s4+s20], $0x80, s24, s20, $0xb8;
	[tilespmem:$0x1E800] =	vst v63  }
0x56: {  	p0 =	sne.s32 s23, $0xF800;
	_ =	swait.ge [sflag:s18], $0x2800  }
.Ltmp1:
0x57: {  	[sflag:s18] =	ssyncset.done $0x0;
	(pc) =	sbr.rel @p0 .LBB2_4-.Ltmp1, $4  }
0x58: {  	s23 =	sadd.s32 $0x4000, s24;
	[sflag:s18] =	ssyncadd.s32 $0xFFFFD800  }
0x59: {  	[spmem:s1] =	stream.indirect.scatter.add.f32 [tilespmem:s17], [sflag:$0x1], $0x80, s23, s20, $0xb8;
	[tilespmem:$0x1E800] =	vst v63  }
0x5a: {  	_ =	swait.ge [sflag:s18], $0x2800  }
0x5b: {  	s23 =	smov.u32 s25;
	[sflag:s18] =	ssyncset.done $0x0  }
0x5c: {  	s22 =	sshra.s32 s22, $0x2;
	[sflag:s18] =	ssyncadd.s32 $0xFFFFD800  }
0x5d: {  	[tilespmem:s17], [sflag:$0x1] =	stream.indirect.gather [hbm4b:s4+s20], $0x80, s22, s20, $0xb8;
	[tilespmem:$0x1E800] =	vst v63  }
0x5e: {  	_ =	swait.ge [sflag:s18], $0x2800  }
0x5f: {  	[sflag:s18] =	ssyncset.done $0x0  }
0x60: {  	s22 =	sadd.s32 $0x4000, s22;
	[sflag:s18] =	ssyncadd.s32 $0xFFFFD800  }
0x61: {  	[spmem:s1] =	stream.indirect.scatter.add.f32 [tilespmem:s17], [sflag:$0x1], $0x80, s22, s20, $0xb8;
	[tilespmem:$0x1E800] =	vst v63  }
0x62: {  	_ =	swait.ge [sflag:s18], $0x2800  }
0x63: {  	s3 =	sadd.s32 $0x1, s3;
	[sflag:s18] =	ssyncset.done $0x0  }
0x64: {  	p0 =	sne.s32 s3, s16;
	[sflag:s18] =	ssyncadd.s32 $0xFFFFD800  }
.Ltmp2:
0x65: {  	s31 =	sshrl.u32 s5, $0x3;
	[bflag:$0x0] =	sbarrier.arrive $0xFFFF;
	(pc) =	sbr.rel @p0 .LBB2_1-.Ltmp2, $4  }
0x66: {  	[hbm:s15], [sflag:s21] =	dma.local [spmem:s31], $0x2800  }
0x67: {  	_ =	swait.ge [sflag:s18], $0x2800  }
0x68: {  	[sflag:s18] =	ssyncset.done $0x0  }
0x69: {  	[sflag:s18] =	ssyncadd.s32 $0xFFFFD800  }
0x6a: {  	_ =	sfence.sel $0x180000  }
0x6b: {  	[bflag:$0x0] =	sbarrier.arrive $0xFFFF  }
0x6c: {  	p0 =	sne.s32 s2, $0x0;
	_ =	strace $0x9000004A  }
0x6d: {  	s0 =	sadd.s32 @!p0 $0x100000, s0;
	[bflag:$0x2] =	sbarrier.arrive $0xFFFF  }
0x6e: {  	[sflag:s0] =	ssyncadd.tile.s32 @!p0 $0x1;
	_ =	shalt  }
.Lfunc_end2:
_tile_overlayer_lowered:
.L_overlay_start_2:
0x6f: {  	(tag) =	ssettag $0x2  }
0x70: {  	s0 =	rddreg [dreg:$0x0];
	s2 =	stileid.u32  }
0x71: {  	s1 =	rddreg [dreg:$0x1];
	p0 =	sne.s32 s2, $0x0  }
0x72: {  	s3 =	rddreg [dreg:$0x2];
	[bflag:$0x3] =	sbarrier.arrive $0xFFFF;
	s2 =	simm.s32 @!p0 $0x1C01  }
0x73: {  	[timem:s3], [sflag:s2] =	dma.local @!p0 [hbm:s0], s1  }
0x74: {  	s0 =	simm.s32 @!p0 $0x1  }
0x75: {  	_ =	swait.ge @!p0 [sflag:s0], s1  }
0x76: {  	s1 =	ssub.s32 @!p0 $0x0, s1;
	[sflag:s0] =	ssyncset.done @!p0 $0x0  }
0x77: {  	[sflag:s0] =	ssyncadd.s32 @!p0 s1  }
0x78: {  	[bflag:$0x3] =	sbarrier.arrive $0xFFFF  }
0x79: {  	_ =	shalt  }

// kernel: kernel.15.cloned.1.call-start
scs
__scs_entry_jumppad:
0x0: {  	(pc) =	sbr.rel $0x88, $3  }
0x1: {  	(tag) =	ssettag $0x0;
	lr =	simm.s32 $0x1  }
0x2: {  	[smem:$0x3F9B] =	sst lr;
	_ =	strace $0xD0000000  }
0x3: {  	_ = 	snop  }
0x4: {  	_ = 	snop  }
0x5: {  	_ = 	snop  }
0x6: {  	_ = 	snop  }
0x7: {  	_ = 	snop  }
__scs_overlays_trampoline_lowered:
0x8: {  	[smem:$0x3FAA] =	sst s0  }
0x9: {  	[smem:$0x3FAB] =	sst s1  }
0xa: {  	[smem:$0x3FAC] =	sst s2  }
0xb: {  	[smem:$0x3FAD] =	sst s3  }
0xc: {  	[smem:$0x3FAE] =	sst s4  }
0xd: {  	[smem:$0x3FAF] =	sst s5  }
0xe: {  	[smem:$0x3FB0] =	sst s6  }
0xf: {  	[smem:$0x3FB1] =	sst s7  }
0x10: {  	[smem:$0x3FB2] =	sst s8  }
0x11: {  	[smem:$0x3FB3] =	sst s9;
	s0 =	simm.s32 @!p0 $0x0  }
0x12: {  	s1 =	sld [smem:$0x3F99];
	s0 =	simm.s32 @p0 $0x1  }
0x13: {  	[smem:$0x3FB4] =	sst s0;
	s0 =	simm.s32 @!p1 $0x0  }
0x14: {  	s2 =	sld [smem:$0x3F98];
	s0 =	simm.s32 @p1 $0x1  }
0x15: {  	[smem:$0x3FB5] =	sst s0;
	s0 =	simm.s32 @!p2 $0x0  }
0x16: {  	s3 =	sld [smem:$0x3FDB];
	s0 =	simm.s32 @p2 $0x1  }
0x17: {  	s4 =	simm.s32 $0x1BF5;
	[smem:$0x3FB7] =	sst s0  }
0x18: {  	s0 =	sld [smem:$0x3F9A];
	_ =	swait.ge [sflag:s4], $0x0  }
0x19: {  	s7 =	sld [smem:$0x3F9B]  }
0x1a: {  	s8 =	sadd.s32 $0xFFFFE003, lr  }
0x1b: {  	s9 =	sadd.s32 $0xFFFFFEF7, lr;
	s5 =	simm.s32 $0xFFFFFFFF;
	p2 =	slt.u32 s8, $0xFFFFF086  }
0x1c: {  	p1 =	slt.u32 s9, $0xF7A;
	s5 =	simm.s32 @!p2 $0x0  }
0x1d: {  	s5 =	simm.s32 @p1 $0x1;
	p0 =	seq.s32 s7, s2  }
0x1e: {  	s7 =	smul.u32 @!p0 $0xF7A, s2;
	p2 =	seq.s32 @!p0 s5, $0x0  }
0x1f: {  	s9 =	smul.u32 $0xF7A, s1;
	s8 =	simm.s32 @!p0 $0x1BF5;
	p2 =	por !p2, p0  }
0x20: {  	[sflag:s8] =	ssyncset.s32 @!p0 $0xFFFFF086;
	s6 =	sadd.s32 @!p0 s3, s7;
	s7 =	simm.s32 @!p0 $0x108  }
0x21: {  	s3 =	sadd.s32 s3, s9;
	s6 =	sadd.s32 @!p0 $0x88, s6;
	s7 =	simm.s32 @p2 $0x1082  }
0x22: {  	[simem:s7], [sflag:s8] =	dma.local @!p0 [hbm:s6], $0xF7A  }
0x23: {  	s9 =	sor.u32 $0xD0000000, s2;
	s6 =	simm.s32 $0x108;
	_ =	swait.ge @!p0 [sflag:s8], $0x0  }
0x24: {  	s3 =	sadd.s32 $0x88, s3;
	s6 =	simm.s32 @!p1 $0x1082;
	[sflag:s4] =	ssyncset.s32 $0xFFFFF086  }
0x25: {  	[simem:s6], [sflag:s4] =	dma.local [hbm:s3], $0xF7A  }
0x26: {  	[smem:$0x3F9B] =	sst s1;
	(tag) =	ssettag s2;
	_ =	strace s9  }
0x27: {  	s1 =	sld [smem:$0x3FAB]  }
0x28: {  	s2 =	sld [smem:$0x3FAC]  }
0x29: {  	s4 =	sld [smem:$0x3FAE]  }
0x2a: {  	p0 =	seq.s32 s5, $0x0;
	s5 =	sld [smem:$0x3FAF]  }
0x2b: {  	s6 =	sld [smem:$0x3FB0]  }
0x2c: {  	s7 =	sld [smem:$0x3FB1]  }
0x2d: {  	s3 =	simm.s32 $0x108;
	s8 =	sld [smem:$0x3FB2]  }
0x2e: {  	s3 =	simm.s32 @!p0 $0x1082;
	s9 =	sld [smem:$0x3FB3]  }
0x2f: {  	lr =	sadd.s32 s0, s3;
	s0 =	sld [smem:$0x3FAA]  }
0x30: {  	s3 =	sld [smem:$0x3FAD]  }
0x31: {  	[smem:$0x3FB6] =	sst s10  }
0x32: {  	s10 =	sld [smem:$0x3FB4];
	_ =	sdelay $0x3  }
0x33: {  	p0 =	seq.s32 s10, $0x1;
	s10 =	sld [smem:$0x3FB6];
	_ =	sdelay $0x3  }
0x34: {  	[smem:$0x3FB6] =	sst s10  }
0x35: {  	s10 =	sld [smem:$0x3FB5];
	_ =	sdelay $0x3  }
0x36: {  	p1 =	seq.s32 s10, $0x1;
	s10 =	sld [smem:$0x3FB6];
	_ =	sdelay $0x3  }
0x37: {  	[smem:$0x3FB6] =	sst s10  }
0x38: {  	s10 =	sld [smem:$0x3FB7]  }
0x39: {  	_ = 	snop;
	(pc) =	sbr.ind lr, $3  }
0x3a: {  	_ = 	snop  }
0x3b: {  	_ = 	snop  }
0x3c: {  	p2 =	seq.s32 s10, $0x1;
	s10 =	sld [smem:$0x3FB6]  }
0x3d: {  	_ =	shalt  }
0x3e: {  	_ =	shalt  }
0x3f: {  	_ =	shalt  }
0x40: {  	_ =	shalt  }
0x41: {  	_ =	shalt  }
0x42: {  	_ =	shalt  }
0x43: {  	_ =	shalt  }
0x44: {  	_ =	shalt  }
0x45: {  	_ =	shalt  }
0x46: {  	_ =	shalt  }
0x47: {  	_ =	shalt  }
0x48: {  	_ =	shalt  }
0x49: {  	_ =	shalt  }
0x4a: {  	_ =	shalt  }
0x4b: {  	_ =	shalt  }
0x4c: {  	_ =	shalt  }
0x4d: {  	_ =	shalt  }
0x4e: {  	_ =	shalt  }
0x4f: {  	_ =	shalt  }
0x50: {  	_ =	shalt  }
0x51: {  	_ =	shalt  }
0x52: {  	_ =	shalt  }
0x53: {  	_ =	shalt  }
0x54: {  	_ =	shalt  }
0x55: {  	_ =	shalt  }
0x56: {  	_ =	shalt  }
0x57: {  	_ =	shalt  }
0x58: {  	_ =	shalt  }
0x59: {  	_ =	shalt  }
0x5a: {  	_ =	shalt  }
0x5b: {  	_ =	shalt  }
0x5c: {  	_ =	shalt  }
0x5d: {  	_ =	shalt  }
0x5e: {  	_ =	shalt  }
0x5f: {  	_ =	shalt  }
0x60: {  	_ =	shalt  }
0x61: {  	_ =	shalt  }
0x62: {  	_ =	shalt  }
0x63: {  	_ =	shalt  }
0x64: {  	_ =	shalt  }
0x65: {  	_ =	shalt  }
0x66: {  	_ =	shalt  }
0x67: {  	_ =	shalt  }
0x68: {  	_ =	shalt  }
0x69: {  	_ =	shalt  }
0x6a: {  	_ =	shalt  }
0x6b: {  	_ =	shalt  }
0x6c: {  	_ =	shalt  }
0x6d: {  	_ =	shalt  }
0x6e: {  	_ =	shalt  }
0x6f: {  	_ =	shalt  }
0x70: {  	_ =	shalt  }
0x71: {  	_ =	shalt  }
0x72: {  	_ =	shalt  }
0x73: {  	_ =	shalt  }
0x74: {  	_ =	shalt  }
0x75: {  	_ =	shalt  }
0x76: {  	_ =	shalt  }
0x77: {  	_ =	shalt  }
0x78: {  	_ =	shalt  }
0x79: {  	_ =	shalt  }
0x7a: {  	_ =	shalt  }
0x7b: {  	_ =	shalt  }
0x7c: {  	_ =	shalt  }
0x7d: {  	_ =	shalt  }
0x7e: {  	_ =	shalt  }
0x7f: {  	_ =	shalt  }
0x80: {  	_ =	shalt  }
0x81: {  	_ =	shalt  }
0x82: {  	_ =	shalt  }
0x83: {  	_ =	shalt  }
0x84: {  	_ =	shalt  }
0x85: {  	_ =	shalt  }
0x86: {  	_ =	shalt  }
0x87: {  	_ =	shalt  }
.Lfunc_end0:
.L_simem_size_0:
called_computation.2_lowered:
.L_overlay_start_0:
0x88: {  	s2 =	sld [smem:$0x3FD9]  }
0x89: {  	s3 =	sld [smem:$0x3FFE];
	_ =	sdelay $0x1  }
0x8a: {  	s1 =	srdreg.scid  }
0x8b: {  	s0 =	sand.u32 $0x1, s1  }
0x8c: {  	s17 =	sshll.u32 s0, $0xA;
	s2 =	sadd.s32 s3, s2  }
0x8d: {  	s2 =	sadd.s32 s2, s17  }
0x8e: {  	[smem:$0x3FC2] =	sst s2  }
0x8f: {  	_ = 	snop  }
0x90: {  	s2 =	sld [smem:$0x3FD0];
	(tm) =	ssettm $0x1  }
0x91: {  	s18 =	sld [smem:$0x3FFB];
	_ =	sdelay $0x3  }
0x92: {  	_ =	strace s18  }
0x93: {  	s3 =	sld [smem:$0x3FFC];
	_ =	sdelay $0x3  }
0x94: {  	_ =	strace s3  }
0x95: {  	s3 =	sld [smem:$0x3FFD];
	_ =	sdelay $0x3  }
0x96: {  	_ =	strace s3  }
0x97: {  	_ =	strace $0x8FFFFFFF  }
0x98: {  	s19 =	sld [smem:$0x3FDB];
	_ =	sdelay $0x1  }
0x99: {  	s4 =	simm.s32 $_scs_section_size  }
0x9a: {  	s5 =	simm.s32 $_size__tile_overlayer_lowered;
	s6 =	simm.s32 $_tile_overlayer_lowered  }
0x9b: {  	s22 =	simm.s32 $0x1BFF;
	s21 =	sshll.u32 s6, $0x1;
	s3 =	sadd.s32 s4, s19  }
0x9c: {  	s7 =	simm.s32 $0x0;
	s20 =	sshll.u32 s5, $0x1;
	s5 =	sadd.s32 s21, s3  }
0x9d: {  	[timem:s7], [sflag:s22] =	dma.local [hbm:s5], s20  }
0x9e: {  	_ =	swait.ge [sflag:s22], s20  }
0x9f: {  	s4 =	ssub.s32 $0x0, s20;
	[sflag:s22] =	ssyncset.done $0x0  }
0xa0: {  	[sflag:s22] =	ssyncadd.s32 s4;
	_ =	sdelay $0x1  }
0xa1: {  	s23 =	simm.s32 $0x1B8B  }
0xa2: {  	_ =	swait.ge [sflag:s23], $0x1  }
0xa3: {  	[sflag:s23] =	ssyncset.done $0x0  }
0xa4: {  	s25 =	simm.s32 $0x1B8E;
	s24 =	sld [smem:$0x3FFE];
	[sflag:s23] =	ssyncadd.s32 $0xFFFFFFFF  }
0xa5: {  	s26 =	simm.s32 $execute0_lowered;
	[smem:$0x3FD2] =	sst s25  }
0xa6: {  	s5 =	sshll.u32 s26, $0x1;
	_ =	strace $0x8000004C;
	[dreg:$0x1] =	wrdreg $0xFFFFFFFF  }
0xa7: {  	s28 =	simm.s32 $_size_execute0_lowered;
	s3 =	sadd.s32 s3, s5;
	[dreg:$0x0] =	wrdreg $0x0  }
0xa8: {  	s5 =	sshll.u32 s28, $0x1;
	[dreg:$0x2] =	wrdreg s3  }
0xa9: {  	[dreg:$0x3] =	wrdreg s5  }
0xaa: {  	[dreg:$0x4] =	wrdreg $0xC0  }
0xab: {  	_ =	task [dreg:s7], $0x5FFFF  }
0xac: {  	[dreg:$0x1] =	wrdreg $0xFFFFFFFF  }
0xad: {  	[dreg:$0x0] =	wrdreg $0x60  }
0xae: {  	[dreg:$0x2] =	wrdreg s2  }
0xaf: {  	[dreg:$0x3] =	wrdreg s24  }
0xb0: {  	[dreg:$0x4] =	wrdreg $0xA8000  }
0xb1: {  	[dreg:$0x5] =	wrdreg $0x9  }
0xb2: {  	_ =	task.clear_ibuf [dreg:s7], $0x6FFFF;
	_ =	strace $0x9000004C  }
0xb3: {  	s29 =	simm.s32 $0x9;
	_ =	strace $0x8000004E  }
0xb4: {  	_ =	swait.ge [sflag:s29], $0x1  }
0xb5: {  	[sflag:s29] =	ssyncadd.s32 $0xFFFFFFFF  }
0xb6: {  	_ =	strace $0x9000004E  }
0xb7: {  	_ =	sfence  }
0xb8: {  	s30 =	sld [smem:$0x0];
	_ =	sdelay $0x2  }
0xb9: {  	s31 =	sshll.u32 s1, $0xD;
	s1 =	sshrl.u32 s1, $0x2  }
0xba: {  	s3 =	sand.u32 $0x4000, s31;
	s1 =	sadd.s32 s1, s30  }
0xbb: {  	s0 =	sor.u32 s3, s0;
	s1 =	sshll.u32 s1, $0x11  }
0xbc: {  	s0 =	sor.u32 s1, s0  }
0xbd: {  	s0 =	sadd.s32 $0x8F2B, s0  }
0xbe: {  	[sflag:s0] =	ssyncadd.remote.s32 $0x1  }
0xbf: {  	_ =	sfence.sel $0xFFFF  }
0xc0: {  	[dreg:$0x0] =	wrdreg $0xFFFFFFFF;
	(pc) =	sbr.abs _section_cstart, $3  }
0xc1: {  	[dreg:$0x1] =	wrdreg $0xFFFFFFFF  }
0xc2: {  	_ =	task.clear_ibuf [dreg:s7], $0x2FFFF;
	_ =	strace $0x9FFFFFFF  }
0xc3: {  	(tm) =	ssettm $0x7FFFFFFF  }
tec
execute0_lowered:
.L_overlay_start_1:
0x0: {  	(tag) =	ssettag $0x1  }
0x1: {  	s13 =	rddreg [dreg:$0x0]  }
0x2: {  	s5 =	rddreg [dreg:$0x1]  }
0x3: {  	s1 =	rddreg [dreg:$0x2]  }
0x4: {  	s0 =	rddreg [dreg:$0x3]  }
0x5: {  	s3 =	simm.s32 $0x0;
	s2 =	srdreg.scid;
	s18 =	simm.s32 $0x1  }
0x6: {  	s19 =	simm.s32 $0x4000;
	[smem:$0x7FF] =	sst s3;
	s6 =	sand.u32 $0x1, s2  }
0x7: {  	s20 =	simm.s32 $0x50;
	s2 =	stileid.u32;
	s7 =	smul.u32 $0x140000, s6  }
0x8: {  	s4 =	sshll.u32 s6, $0xF;
	s8 =	sshll.u32 s2, $0xB;
	s9 =	smul.u32 $0x14000, s2  }
0x9: {  	_ =	strace $0x8000004D;
	s30 =	smul.u32 $0x50000, s2;
	s6 =	ssub.s32 $0x2, s6  }
0xa: {  	s21 =	sshll.u32 s2, $0x6;
	s14 =	sor.u32 s8, s4;
	s4 =	sadd.s32 $0x11E00, s5  }
0xb: {  	s31 =	sshrl.u32 s6, $0x1;
	s21 =	sor.u32 $0x1C01, s21;
	s7 =	sadd.s32 s9, s7  }
0xc: {  	s15 =	sadd.s32 s14, s5;
	s8 =	sshrl.u32 s30, $0x2;
	s7 =	sshrl.u32 s7, $0x3  }
0xd: {  	s17 =	ssub.s32 s6, s31;
	s16 =	sadd.s32 s7, s5;
	s5 =	sadd.s32 s8, s1  }
0xe: {  	s13 =	sadd.s32 s13, s14;
	s14 =	sadd.s32 $0x1E00, s15;
	s6 =	sadd.s32 $0x2800, s5  }
0xf: {  	s7 =	sadd.s32 $0x5000, s5;
	s8 =	sadd.s32 $0x7800, s5;
	s9 =	sadd.s32 $0xA000, s5  }
0x10: {  	s10 =	sadd.s32 $0xC800, s5;
	s11 =	sadd.s32 $0xF000, s5;
	s12 =	sadd.s32 $0x11800, s5  }
0x11: {  	v0 =	vimm.f32 $0.0e+00;
	s15 =	sadd.s32 $0x39000, s16;
	s16 =	smax.u32 s17, $0x1;
	s17 =	simm.s32 $0x8000  }
.LBB2_1:
0x12: {  	s22 =	simm.s32 $0x0;
	s23 =	simm.s32 $0x200  }
.LBB2_2:
0x13: {  	p0 =	sne.s32 s23, $0x9E00;
	[tilespmem:s22+$0x8070] =	vst v0  }
0x14: {  	[tilespmem:s22+$0x8000] =	vst v0  }
0x15: {  	[tilespmem:s22+$0x8010] =	vst v0  }
.Ltmp0:
0x16: {  	[tilespmem:s22+$0x8020] =	vst v0;
	(pc) =	sbr.rel @p0 .LBB2_2-.Ltmp0, $4  }
0x17: {  	[tilespmem:s22+$0x8030] =	vst v0  }
0x18: {  	[tilespmem:s22+$0x8040] =	vst v0  }
0x19: {  	[tilespmem:s22+$0x8050] =	vst v0  }
0x1a: {  	[tilespmem:s22+$0x8060] =	vst v0;
	s22 =	sshra.s32 s23, $0x2;
	s23 =	sadd.s32 $0x200, s23  }
0x1b: {  	[tilespmem:s22+$0x8070] =	vst v0  }
0x1c: {  	[tilespmem:s22+$0x8000] =	vst v0  }
0x1d: {  	[tilespmem:s22+$0x8010] =	vst v0  }
0x1e: {  	[tilespmem:s22+$0x8020] =	vst v0  }
0x1f: {  	[tilespmem:s22+$0x8030] =	vst v0  }
0x20: {  	[tilespmem:s22+$0x8040] =	vst v0  }
0x21: {  	[tilespmem:s22+$0x8050] =	vst v0  }
0x22: {  	[tilespmem:s22+$0x8060] =	vst v0  }
0x23: {  	[spmem:s5] =	stream.linear.scatter [tilespmem:s17], [sflag:$0x1], $0x2800, $0x38;
	[tilespmem:$0x1E800] =	vst v63  }
0x24: {  	_ =	swait.ge [sflag:s18], $0x2800  }
0x25: {  	[sflag:s18] =	ssyncset.done $0x0  }
0x26: {  	[sflag:s18] =	ssyncadd.s32 $0xFFFFD800  }
0x27: {  	[spmem:s6] =	stream.linear.scatter [tilespmem:s17], [sflag:$0x1], $0x2800, $0x38;
	[tilespmem:$0x1E800] =	vst v63  }
0x28: {  	_ =	swait.ge [sflag:s18], $0x2800  }
0x29: {  	[sflag:s18] =	ssyncset.done $0x0  }
0x2a: {  	[sflag:s18] =	ssyncadd.s32 $0xFFFFD800  }
0x2b: {  	[spmem:s7] =	stream.linear.scatter [tilespmem:s17], [sflag:$0x1], $0x2800, $0x38;
	[tilespmem:$0x1E800] =	vst v63  }
0x2c: {  	_ =	swait.ge [sflag:s18], $0x2800  }
0x2d: {  	[sflag:s18] =	ssyncset.done $0x0  }
0x2e: {  	[sflag:s18] =	ssyncadd.s32 $0xFFFFD800  }
0x2f: {  	[spmem:s8] =	stream.linear.scatter [tilespmem:s17], [sflag:$0x1], $0x2800, $0x38;
	[tilespmem:$0x1E800] =	vst v63  }
0x30: {  	_ =	swait.ge [sflag:s18], $0x2800  }
0x31: {  	[sflag:s18] =	ssyncset.done $0x0  }
0x32: {  	[sflag:s18] =	ssyncadd.s32 $0xFFFFD800  }
0x33: {  	[spmem:s9] =	stream.linear.scatter [tilespmem:s17], [sflag:$0x1], $0x2800, $0x38;
	[tilespmem:$0x1E800] =	vst v63  }
0x34: {  	_ =	swait.ge [sflag:s18], $0x2800  }
0x35: {  	[sflag:s18] =	ssyncset.done $0x0  }
0x36: {  	[sflag:s18] =	ssyncadd.s32 $0xFFFFD800  }
0x37: {  	[spmem:s10] =	stream.linear.scatter [tilespmem:s17], [sflag:$0x1], $0x2800, $0x38;
	[tilespmem:$0x1E800] =	vst v63  }
0x38: {  	_ =	swait.ge [sflag:s18], $0x2800  }
0x39: {  	[sflag:s18] =	ssyncset.done $0x0  }
0x3a: {  	[sflag:s18] =	ssyncadd.s32 $0xFFFFD800  }
0x3b: {  	[spmem:s11] =	stream.linear.scatter [tilespmem:s17], [sflag:$0x1], $0x2800, $0x38;
	[tilespmem:$0x1E800] =	vst v63  }
0x3c: {  	_ =	swait.ge [sflag:s18], $0x2800  }
0x3d: {  	[sflag:s18] =	ssyncset.done $0x0  }
0x3e: {  	[sflag:s18] =	ssyncadd.s32 $0xFFFFD800  }
0x3f: {  	[spmem:s12] =	stream.linear.scatter [tilespmem:s17], [sflag:$0x1], $0x2800, $0x38;
	[tilespmem:$0x1E800] =	vst v63  }
0x40: {  	_ =	swait.ge [sflag:s18], $0x2800  }
0x41: {  	[sflag:s18] =	ssyncset.done $0x0  }
0x42: {  	[sflag:s18] =	ssyncadd.s32 $0xFFFFD800  }
0x43: {  	s29 =	simm.s32 $0x0;
	[bflag:$0x0] =	sbarrier.arrive $0xFFFF  }
0x44: {  	[tilespmem:s29], [sflag:$0x1] =	stream.linear.gather [hbm4b:s13+s29], $0x3E80, $0x38;
	[tilespmem:$0x1E800] =	vst v63  }
0x45: {  	_ =	swait.ge [sflag:s18], $0x3E80  }
0x46: {  	[sflag:s18] =	ssyncset.done $0x0  }
0x47: {  	[sflag:s18] =	ssyncadd.s32 $0xFFFFC180  }
0x48: {  	[tilespmem:s19], [sflag:$0x1] =	stream.linear.gather [hbm4b:s14+s29], $0x3E80, $0x38;
	[tilespmem:$0x1E800] =	vst v63  }
0x49: {  	_ =	swait.ge [sflag:s18], $0x3E80  }
0x4a: {  	[sflag:s18] =	ssyncset.done $0x0  }
0x4b: {  	s30 =	simm.s32 $0x0;
	[sflag:s18] =	ssyncadd.s32 $0xFFFFC180  }
0x4c: {  	[tilespmem:s17], [sflag:$0x1] =	stream.indirect.gather [hbm4b:s4+s20], $0x80, s30, s20, $0xb8;
	[tilespmem:$0x1E800] =	vst v63  }
0x4d: {  	_ =	swait.ge [sflag:s18], $0x2800  }
0x4e: {  	[sflag:s18] =	ssyncset.done $0x0  }
0x4f: {  	s31 =	simm.s32 $0x4000;
	[sflag:s18] =	ssyncadd.s32 $0xFFFFD800  }
0x50: {  	[spmem:s1] =	stream.indirect.scatter.add.f32 [tilespmem:s17], [sflag:$0x1], $0x80, s31, s20, $0xb8;
	[tilespmem:$0x1E800] =	vst v63  }
0x51: {  	_ =	swait.ge [sflag:s18], $0x2800  }
0x52: {  	s22 =	simm.s32 $0x200;
	s23 =	simm.s32 $0x400;
	[sflag:s18] =	ssyncset.done $0x0  }
.LBB2_4:
0x53: {  	s24 =	sshra.s32 s22, $0x2  }
0x54: {  	[sflag:s18] =	ssyncadd.s32 $0xFFFFD800;
	s22 =	smov.u32 s23;
	s25 =	sadd.s32 $0x200, s23  }
0x55: {  	[tilespmem:s17], [sflag:$0x1] =	stream.indirect.gather [hbm4b:s4+s20], $0x80, s24, s20, $0xb8;
	[tilespmem:$0x1E800] =	vst v63  }
0x56: {  	p0 =	sne.s32 s23, $0xF800;
	_ =	swait.ge [sflag:s18], $0x2800  }
.Ltmp1:
0x57: {  	[sflag:s18] =	ssyncset.done $0x0;
	(pc) =	sbr.rel @p0 .LBB2_4-.Ltmp1, $4  }
0x58: {  	s23 =	sadd.s32 $0x4000, s24;
	[sflag:s18] =	ssyncadd.s32 $0xFFFFD800  }
0x59: {  	[spmem:s1] =	stream.indirect.scatter.add.f32 [tilespmem:s17], [sflag:$0x1], $0x80, s23, s20, $0xb8;
	[tilespmem:$0x1E800] =	vst v63  }
0x5a: {  	_ =	swait.ge [sflag:s18], $0x2800  }
0x5b: {  	s23 =	smov.u32 s25;
	[sflag:s18] =	ssyncset.done $0x0  }
0x5c: {  	s22 =	sshra.s32 s22, $0x2;
	[sflag:s18] =	ssyncadd.s32 $0xFFFFD800  }
0x5d: {  	[tilespmem:s17], [sflag:$0x1] =	stream.indirect.gather [hbm4b:s4+s20], $0x80, s22, s20, $0xb8;
	[tilespmem:$0x1E800] =	vst v63  }
0x5e: {  	_ =	swait.ge [sflag:s18], $0x2800  }
0x5f: {  	[sflag:s18] =	ssyncset.done $0x0  }
0x60: {  	s22 =	sadd.s32 $0x4000, s22;
	[sflag:s18] =	ssyncadd.s32 $0xFFFFD800  }
0x61: {  	[spmem:s1] =	stream.indirect.scatter.add.f32 [tilespmem:s17], [sflag:$0x1], $0x80, s22, s20, $0xb8;
	[tilespmem:$0x1E800] =	vst v63  }
0x62: {  	_ =	swait.ge [sflag:s18], $0x2800  }
0x63: {  	s3 =	sadd.s32 $0x1, s3;
	[sflag:s18] =	ssyncset.done $0x0  }
0x64: {  	p0 =	sne.s32 s3, s16;
	[sflag:s18] =	ssyncadd.s32 $0xFFFFD800  }
.Ltmp2:
0x65: {  	s31 =	sshrl.u32 s5, $0x3;
	[bflag:$0x0] =	sbarrier.arrive $0xFFFF;
	(pc) =	sbr.rel @p0 .LBB2_1-.Ltmp2, $4  }
0x66: {  	[hbm:s15], [sflag:s21] =	dma.local [spmem:s31], $0x2800  }
0x67: {  	_ =	swait.ge [sflag:s18], $0x2800  }
0x68: {  	[sflag:s18] =	ssyncset.done $0x0  }
0x69: {  	[sflag:s18] =	ssyncadd.s32 $0xFFFFD800  }
0x6a: {  	_ =	sfence.sel $0x180000  }
0x6b: {  	[bflag:$0x0] =	sbarrier.arrive $0xFFFF  }
0x6c: {  	p0 =	sne.s32 s2, $0x0;
	_ =	strace $0x9000004D  }
0x6d: {  	s0 =	sadd.s32 @!p0 $0x100000, s0;
	[bflag:$0x2] =	sbarrier.arrive $0xFFFF  }
0x6e: {  	[sflag:s0] =	ssyncadd.tile.s32 @!p0 $0x1;
	_ =	shalt  }
.Lfunc_end2:
_tile_overlayer_lowered:
.L_overlay_start_2:
0x6f: {  	(tag) =	ssettag $0x2  }
0x70: {  	s0 =	rddreg [dreg:$0x0];
	s2 =	stileid.u32  }
0x71: {  	s1 =	rddreg [dreg:$0x1];
	p0 =	sne.s32 s2, $0x0  }
0x72: {  	s3 =	rddreg [dreg:$0x2];
	[bflag:$0x3] =	sbarrier.arrive $0xFFFF;
	s2 =	simm.s32 @!p0 $0x1C01  }
0x73: {  	[timem:s3], [sflag:s2] =	dma.local @!p0 [hbm:s0], s1  }
0x74: {  	s0 =	simm.s32 @!p0 $0x1  }
0x75: {  	_ =	swait.ge @!p0 [sflag:s0], s1  }
0x76: {  	s1 =	ssub.s32 @!p0 $0x0, s1;
	[sflag:s0] =	ssyncset.done @!p0 $0x0  }
0x77: {  	[sflag:s0] =	ssyncadd.s32 @!p0 s1  }
0x78: {  	[bflag:$0x3] =	sbarrier.arrive $0xFFFF  }
0x79: {  	_ =	shalt  }

// kernel: kernel.9.cloned.1.call-start
scs
__scs_entry_jumppad:
0x0: {  	(pc) =	sbr.rel $0x88, $3  }
0x1: {  	(tag) =	ssettag $0x0;
	lr =	simm.s32 $0x1  }
0x2: {  	[smem:$0x3F9B] =	sst lr;
	_ =	strace $0xD0000000  }
0x3: {  	_ = 	snop  }
0x4: {  	_ = 	snop  }
0x5: {  	_ = 	snop  }
0x6: {  	_ = 	snop  }
0x7: {  	_ = 	snop  }
__scs_overlays_trampoline_lowered:
0x8: {  	[smem:$0x3FAA] =	sst s0  }
0x9: {  	[smem:$0x3FAB] =	sst s1  }
0xa: {  	[smem:$0x3FAC] =	sst s2  }
0xb: {  	[smem:$0x3FAD] =	sst s3  }
0xc: {  	[smem:$0x3FAE] =	sst s4  }
0xd: {  	[smem:$0x3FAF] =	sst s5  }
0xe: {  	[smem:$0x3FB0] =	sst s6  }
0xf: {  	[smem:$0x3FB1] =	sst s7  }
0x10: {  	[smem:$0x3FB2] =	sst s8  }
0x11: {  	[smem:$0x3FB3] =	sst s9;
	s0 =	simm.s32 @!p0 $0x0  }
0x12: {  	s1 =	sld [smem:$0x3F99];
	s0 =	simm.s32 @p0 $0x1  }
0x13: {  	[smem:$0x3FB4] =	sst s0;
	s0 =	simm.s32 @!p1 $0x0  }
0x14: {  	s2 =	sld [smem:$0x3F98];
	s0 =	simm.s32 @p1 $0x1  }
0x15: {  	[smem:$0x3FB5] =	sst s0;
	s0 =	simm.s32 @!p2 $0x0  }
0x16: {  	s3 =	sld [smem:$0x3FDB];
	s0 =	simm.s32 @p2 $0x1  }
0x17: {  	s4 =	simm.s32 $0x1BF5;
	[smem:$0x3FB7] =	sst s0  }
0x18: {  	s0 =	sld [smem:$0x3F9A];
	_ =	swait.ge [sflag:s4], $0x0  }
0x19: {  	s7 =	sld [smem:$0x3F9B]  }
0x1a: {  	s8 =	sadd.s32 $0xFFFFE003, lr  }
0x1b: {  	s9 =	sadd.s32 $0xFFFFFEF7, lr;
	s5 =	simm.s32 $0xFFFFFFFF;
	p2 =	slt.u32 s8, $0xFFFFF086  }
0x1c: {  	p1 =	slt.u32 s9, $0xF7A;
	s5 =	simm.s32 @!p2 $0x0  }
0x1d: {  	s5 =	simm.s32 @p1 $0x1;
	p0 =	seq.s32 s7, s2  }
0x1e: {  	s7 =	smul.u32 @!p0 $0xF7A, s2;
	p2 =	seq.s32 @!p0 s5, $0x0  }
0x1f: {  	s9 =	smul.u32 $0xF7A, s1;
	s8 =	simm.s32 @!p0 $0x1BF5;
	p2 =	por !p2, p0  }
0x20: {  	[sflag:s8] =	ssyncset.s32 @!p0 $0xFFFFF086;
	s6 =	sadd.s32 @!p0 s3, s7;
	s7 =	simm.s32 @!p0 $0x108  }
0x21: {  	s3 =	sadd.s32 s3, s9;
	s6 =	sadd.s32 @!p0 $0x88, s6;
	s7 =	simm.s32 @p2 $0x1082  }
0x22: {  	[simem:s7], [sflag:s8] =	dma.local @!p0 [hbm:s6], $0xF7A  }
0x23: {  	s9 =	sor.u32 $0xD0000000, s2;
	s6 =	simm.s32 $0x108;
	_ =	swait.ge @!p0 [sflag:s8], $0x0  }
0x24: {  	s3 =	sadd.s32 $0x88, s3;
	s6 =	simm.s32 @!p1 $0x1082;
	[sflag:s4] =	ssyncset.s32 $0xFFFFF086  }
0x25: {  	[simem:s6], [sflag:s4] =	dma.local [hbm:s3], $0xF7A  }
0x26: {  	[smem:$0x3F9B] =	sst s1;
	(tag) =	ssettag s2;
	_ =	strace s9  }
0x27: {  	s1 =	sld [smem:$0x3FAB]  }
0x28: {  	s2 =	sld [smem:$0x3FAC]  }
0x29: {  	s4 =	sld [smem:$0x3FAE]  }
0x2a: {  	p0 =	seq.s32 s5, $0x0;
	s5 =	sld [smem:$0x3FAF]  }
0x2b: {  	s6 =	sld [smem:$0x3FB0]  }
0x2c: {  	s7 =	sld [smem:$0x3FB1]  }
0x2d: {  	s3 =	simm.s32 $0x108;
	s8 =	sld [smem:$0x3FB2]  }
0x2e: {  	s3 =	simm.s32 @!p0 $0x1082;
	s9 =	sld [smem:$0x3FB3]  }
0x2f: {  	lr =	sadd.s32 s0, s3;
	s0 =	sld [smem:$0x3FAA]  }
0x30: {  	s3 =	sld [smem:$0x3FAD]  }
0x31: {  	[smem:$0x3FB6] =	sst s10  }
0x32: {  	s10 =	sld [smem:$0x3FB4];
	_ =	sdelay $0x3  }
0x33: {  	p0 =	seq.s32 s10, $0x1;
	s10 =	sld [smem:$0x3FB6];
	_ =	sdelay $0x3  }
0x34: {  	[smem:$0x3FB6] =	sst s10  }
0x35: {  	s10 =	sld [smem:$0x3FB5];
	_ =	sdelay $0x3  }
0x36: {  	p1 =	seq.s32 s10, $0x1;
	s10 =	sld [smem:$0x3FB6];
	_ =	sdelay $0x3  }
0x37: {  	[smem:$0x3FB6] =	sst s10  }
0x38: {  	s10 =	sld [smem:$0x3FB7]  }
0x39: {  	_ = 	snop;
	(pc) =	sbr.ind lr, $3  }
0x3a: {  	_ = 	snop  }
0x3b: {  	_ = 	snop  }
0x3c: {  	p2 =	seq.s32 s10, $0x1;
	s10 =	sld [smem:$0x3FB6]  }
0x3d: {  	_ =	shalt  }
0x3e: {  	_ =	shalt  }
0x3f: {  	_ =	shalt  }
0x40: {  	_ =	shalt  }
0x41: {  	_ =	shalt  }
0x42: {  	_ =	shalt  }
0x43: {  	_ =	shalt  }
0x44: {  	_ =	shalt  }
0x45: {  	_ =	shalt  }
0x46: {  	_ =	shalt  }
0x47: {  	_ =	shalt  }
0x48: {  	_ =	shalt  }
0x49: {  	_ =	shalt  }
0x4a: {  	_ =	shalt  }
0x4b: {  	_ =	shalt  }
0x4c: {  	_ =	shalt  }
0x4d: {  	_ =	shalt  }
0x4e: {  	_ =	shalt  }
0x4f: {  	_ =	shalt  }
0x50: {  	_ =	shalt  }
0x51: {  	_ =	shalt  }
0x52: {  	_ =	shalt  }
0x53: {  	_ =	shalt  }
0x54: {  	_ =	shalt  }
0x55: {  	_ =	shalt  }
0x56: {  	_ =	shalt  }
0x57: {  	_ =	shalt  }
0x58: {  	_ =	shalt  }
0x59: {  	_ =	shalt  }
0x5a: {  	_ =	shalt  }
0x5b: {  	_ =	shalt  }
0x5c: {  	_ =	shalt  }
0x5d: {  	_ =	shalt  }
0x5e: {  	_ =	shalt  }
0x5f: {  	_ =	shalt  }
0x60: {  	_ =	shalt  }
0x61: {  	_ =	shalt  }
0x62: {  	_ =	shalt  }
0x63: {  	_ =	shalt  }
0x64: {  	_ =	shalt  }
0x65: {  	_ =	shalt  }
0x66: {  	_ =	shalt  }
0x67: {  	_ =	shalt  }
0x68: {  	_ =	shalt  }
0x69: {  	_ =	shalt  }
0x6a: {  	_ =	shalt  }
0x6b: {  	_ =	shalt  }
0x6c: {  	_ =	shalt  }
0x6d: {  	_ =	shalt  }
0x6e: {  	_ =	shalt  }
0x6f: {  	_ =	shalt  }
0x70: {  	_ =	shalt  }
0x71: {  	_ =	shalt  }
0x72: {  	_ =	shalt  }
0x73: {  	_ =	shalt  }
0x74: {  	_ =	shalt  }
0x75: {  	_ =	shalt  }
0x76: {  	_ =	shalt  }
0x77: {  	_ =	shalt  }
0x78: {  	_ =	shalt  }
0x79: {  	_ =	shalt  }
0x7a: {  	_ =	shalt  }
0x7b: {  	_ =	shalt  }
0x7c: {  	_ =	shalt  }
0x7d: {  	_ =	shalt  }
0x7e: {  	_ =	shalt  }
0x7f: {  	_ =	shalt  }
0x80: {  	_ =	shalt  }
0x81: {  	_ =	shalt  }
0x82: {  	_ =	shalt  }
0x83: {  	_ =	shalt  }
0x84: {  	_ =	shalt  }
0x85: {  	_ =	shalt  }
0x86: {  	_ =	shalt  }
0x87: {  	_ =	shalt  }
.Lfunc_end0:
.L_simem_size_0:
called_computation_lowered:
.L_overlay_start_0:
0x88: {  	s2 =	sld [smem:$0x3FD9]  }
0x89: {  	s3 =	sld [smem:$0x3FFE];
	_ =	sdelay $0x1  }
0x8a: {  	s1 =	srdreg.scid  }
0x8b: {  	s0 =	sand.u32 $0x1, s1  }
0x8c: {  	s16 =	sshll.u32 s0, $0xA;
	s2 =	sadd.s32 s3, s2  }
0x8d: {  	s2 =	sadd.s32 s2, s16  }
0x8e: {  	[smem:$0x3FC2] =	sst s2  }
0x8f: {  	_ = 	snop  }
0x90: {  	(tm) =	ssettm $0x1  }
0x91: {  	s17 =	sld [smem:$0x3FFB];
	_ =	sdelay $0x3  }
0x92: {  	_ =	strace s17  }
0x93: {  	s2 =	sld [smem:$0x3FFC];
	_ =	sdelay $0x3  }
0x94: {  	_ =	strace s2  }
0x95: {  	s2 =	sld [smem:$0x3FFD];
	_ =	sdelay $0x3  }
0x96: {  	_ =	strace s2  }
0x97: {  	_ =	strace $0x8FFFFFFF  }
0x98: {  	s18 =	sld [smem:$0x3FDB];
	_ =	sdelay $0x1  }
0x99: {  	s19 =	simm.s32 $_scs_section_size  }
0x9a: {  	s4 =	simm.s32 $_size__tile_overlayer_lowered;
	s5 =	simm.s32 $_tile_overlayer_lowered  }
0x9b: {  	s22 =	simm.s32 $0x1BFF;
	s21 =	sshll.u32 s5, $0x1;
	s2 =	sadd.s32 s19, s18  }
0x9c: {  	s6 =	simm.s32 $0x0;
	s20 =	sshll.u32 s4, $0x1;
	s4 =	sadd.s32 s21, s2  }
0x9d: {  	[timem:s6], [sflag:s22] =	dma.local [hbm:s4], s20  }
0x9e: {  	_ =	swait.ge [sflag:s22], s20  }
0x9f: {  	s3 =	ssub.s32 $0x0, s20;
	[sflag:s22] =	ssyncset.done $0x0  }
0xa0: {  	[sflag:s22] =	ssyncadd.s32 s3;
	_ =	sdelay $0x1  }
0xa1: {  	s23 =	simm.s32 $0x1B8B  }
0xa2: {  	_ =	swait.ge [sflag:s23], $0x1  }
0xa3: {  	[sflag:s23] =	ssyncset.done $0x0  }
0xa4: {  	s25 =	simm.s32 $0x1B8E;
	s24 =	sld [smem:$0x3FFE];
	[sflag:s23] =	ssyncadd.s32 $0xFFFFFFFF  }
0xa5: {  	s26 =	simm.s32 $execute0_lowered;
	[smem:$0x3FD2] =	sst s25  }
0xa6: {  	s4 =	sshll.u32 s26, $0x1;
	_ =	strace $0x80000046;
	[dreg:$0x1] =	wrdreg $0xFFFFFFFF  }
0xa7: {  	s28 =	simm.s32 $_size_execute0_lowered;
	s2 =	sadd.s32 s2, s4;
	[dreg:$0x0] =	wrdreg $0x0  }
0xa8: {  	s4 =	sshll.u32 s28, $0x1;
	[dreg:$0x2] =	wrdreg s2  }
0xa9: {  	[dreg:$0x3] =	wrdreg s4  }
0xaa: {  	[dreg:$0x4] =	wrdreg $0xC0  }
0xab: {  	_ =	task [dreg:s6], $0x5FFFF  }
0xac: {  	[dreg:$0x1] =	wrdreg $0xFFFFFFFF  }
0xad: {  	[dreg:$0x0] =	wrdreg $0x60  }
0xae: {  	[dreg:$0x2] =	wrdreg s24  }
0xaf: {  	[dreg:$0x3] =	wrdreg $0x68000  }
0xb0: {  	[dreg:$0x4] =	wrdreg $0x9  }
0xb1: {  	_ =	task.clear_ibuf [dreg:s6], $0x5FFFF;
	_ =	strace $0x90000046  }
0xb2: {  	s29 =	simm.s32 $0x9;
	_ =	strace $0x80000048  }
0xb3: {  	_ =	swait.ge [sflag:s29], $0x1  }
0xb4: {  	[sflag:s29] =	ssyncadd.s32 $0xFFFFFFFF  }
0xb5: {  	_ =	strace $0x90000048  }
0xb6: {  	_ =	sfence  }
0xb7: {  	s30 =	sld [smem:$0x0];
	_ =	sdelay $0x2  }
0xb8: {  	s31 =	sshll.u32 s1, $0xD;
	s1 =	sshrl.u32 s1, $0x2  }
0xb9: {  	s3 =	sand.u32 $0x4000, s31;
	s1 =	sadd.s32 s1, s30  }
0xba: {  	s0 =	sor.u32 s3, s0;
	s1 =	sshll.u32 s1, $0x11  }
0xbb: {  	s0 =	sor.u32 s1, s0  }
0xbc: {  	s0 =	sadd.s32 $0x8F2B, s0  }
0xbd: {  	[sflag:s0] =	ssyncadd.remote.s32 $0x1  }
0xbe: {  	_ =	sfence.sel $0xFFFF  }
0xbf: {  	[dreg:$0x0] =	wrdreg $0xFFFFFFFF;
	(pc) =	sbr.abs _section_cstart, $3  }
0xc0: {  	[dreg:$0x1] =	wrdreg $0xFFFFFFFF  }
0xc1: {  	_ =	task.clear_ibuf [dreg:s6], $0x2FFFF;
	_ =	strace $0x9FFFFFFF  }
0xc2: {  	(tm) =	ssettm $0x7FFFFFFF  }
0xc3: {  	_ =	shalt  }
tec
execute0_lowered:
.L_overlay_start_1:
0x0: {  	(tag) =	ssettag $0x1  }
0x1: {  	s4 =	rddreg [dreg:$0x0]  }
0x2: {  	s1 =	rddreg [dreg:$0x1]  }
0x3: {  	s2 =	srdreg.scid;
	s0 =	rddreg [dreg:$0x2]  }
0x4: {  	s3 =	simm.s32 $0x0;
	s10 =	sand.u32 $0x1, s2;
	s2 =	stileid.u32  }
0x5: {  	s16 =	simm.s32 $0x1;
	[smem:$0x7FF] =	sst s3;
	s5 =	smul.u32 $0x140000, s10  }
0x6: {  	s17 =	simm.s32 $0x50;
	s6 =	smul.u32 $0x14000, s2;
	_ =	strace $0x80000047  }
0x7: {  	s7 =	sshll.u32 s2, $0xB;
	s8 =	smul.u32 $0x50000, s2;
	s30 =	ssub.s32 $0x2, s10  }
0x8: {  	s15 =	sshll.u32 s10, $0xF;
	s18 =	sshll.u32 s2, $0x6;
	s12 =	sadd.s32 s7, s4  }
0x9: {  	s31 =	sshrl.u32 s30, $0x1;
	s18 =	sor.u32 $0x1C01, s18;
	s5 =	sadd.s32 s6, s5  }
0xa: {  	s8 =	sshrl.u32 s8, $0x2;
	s14 =	ssub.s32 s30, s31;
	s12 =	sadd.s32 s15, s12  }
0xb: {  	s15 =	simm.s32 $0x4000;
	s5 =	sshrl.u32 s5, $0x3;
	s12 =	sadd.s32 $0x1E00, s12  }
0xc: {  	s14 =	smax.u32 s14, $0x1;
	s13 =	sadd.s32 s5, s4;
	s4 =	sadd.s32 s8, s1  }
0xd: {  	s5 =	sadd.s32 $0x2800, s4;
	s6 =	sadd.s32 $0x5000, s4;
	s7 =	sadd.s32 $0x7800, s4  }
0xe: {  	s8 =	sadd.s32 $0xA000, s4;
	s9 =	sadd.s32 $0xC800, s4;
	s10 =	sadd.s32 $0xF000, s4  }
0xf: {  	v0 =	vimm.f32 $0.0e+00;
	v1 =	vimm.f32 $1.000000000e+00;
	s11 =	sadd.s32 $0x11800, s4;
	s13 =	sadd.s32 $0x11E00, s13;
	s19 =	sshrl.u32 s4, $0x3  }
.LBB2_1:
0x10: {  	s20 =	simm.s32 $0x200;
	s21 =	simm.s32 $0x0  }
.LBB2_2:
0x11: {  	p0 =	sne.s32 s20, $0x9E00;
	[tilespmem:s21+$0x4000] =	vst v0;
	s21 =	smov.u32 s20;
	s20 =	sadd.s32 $0x200, s20  }
.Ltmp0:
0x12: {  	(pc) =	sbr.rel @p0 .LBB2_2-.Ltmp0, $2  }
0x13: {  	_ =	sdelay $0x2  }
0x14: {  	s21 =	sshra.s32 s21, $0x2  }
0x15: {  	[tilespmem:s21+$0x4000] =	vst v0  }
0x16: {  	[spmem:s4] =	stream.linear.scatter [tilespmem:s15], [sflag:$0x1], $0x2800, $0x38;
	[tilespmem:$0x9000] =	vst v63  }
0x17: {  	_ =	swait.ge [sflag:s16], $0x2800  }
0x18: {  	[sflag:s16] =	ssyncset.done $0x0  }
0x19: {  	[sflag:s16] =	ssyncadd.s32 $0xFFFFD800  }
0x1a: {  	[spmem:s5] =	stream.linear.scatter [tilespmem:s15], [sflag:$0x1], $0x2800, $0x38;
	[tilespmem:$0x9000] =	vst v63  }
0x1b: {  	_ =	swait.ge [sflag:s16], $0x2800  }
0x1c: {  	[sflag:s16] =	ssyncset.done $0x0  }
0x1d: {  	[sflag:s16] =	ssyncadd.s32 $0xFFFFD800  }
0x1e: {  	[spmem:s6] =	stream.linear.scatter [tilespmem:s15], [sflag:$0x1], $0x2800, $0x38;
	[tilespmem:$0x9000] =	vst v63  }
0x1f: {  	_ =	swait.ge [sflag:s16], $0x2800  }
0x20: {  	[sflag:s16] =	ssyncset.done $0x0  }
0x21: {  	[sflag:s16] =	ssyncadd.s32 $0xFFFFD800  }
0x22: {  	[spmem:s7] =	stream.linear.scatter [tilespmem:s15], [sflag:$0x1], $0x2800, $0x38;
	[tilespmem:$0x9000] =	vst v63  }
0x23: {  	_ =	swait.ge [sflag:s16], $0x2800  }
0x24: {  	[sflag:s16] =	ssyncset.done $0x0  }
0x25: {  	[sflag:s16] =	ssyncadd.s32 $0xFFFFD800  }
0x26: {  	[spmem:s8] =	stream.linear.scatter [tilespmem:s15], [sflag:$0x1], $0x2800, $0x38;
	[tilespmem:$0x9000] =	vst v63  }
0x27: {  	_ =	swait.ge [sflag:s16], $0x2800  }
0x28: {  	[sflag:s16] =	ssyncset.done $0x0  }
0x29: {  	[sflag:s16] =	ssyncadd.s32 $0xFFFFD800  }
0x2a: {  	[spmem:s9] =	stream.linear.scatter [tilespmem:s15], [sflag:$0x1], $0x2800, $0x38;
	[tilespmem:$0x9000] =	vst v63  }
0x2b: {  	_ =	swait.ge [sflag:s16], $0x2800  }
0x2c: {  	[sflag:s16] =	ssyncset.done $0x0  }
0x2d: {  	[sflag:s16] =	ssyncadd.s32 $0xFFFFD800  }
0x2e: {  	[spmem:s10] =	stream.linear.scatter [tilespmem:s15], [sflag:$0x1], $0x2800, $0x38;
	[tilespmem:$0x9000] =	vst v63  }
0x2f: {  	_ =	swait.ge [sflag:s16], $0x2800  }
0x30: {  	[sflag:s16] =	ssyncset.done $0x0  }
0x31: {  	[sflag:s16] =	ssyncadd.s32 $0xFFFFD800  }
0x32: {  	[spmem:s11] =	stream.linear.scatter [tilespmem:s15], [sflag:$0x1], $0x2800, $0x38;
	[tilespmem:$0x9000] =	vst v63  }
0x33: {  	_ =	swait.ge [sflag:s16], $0x2800  }
0x34: {  	[sflag:s16] =	ssyncset.done $0x0  }
0x35: {  	s20 =	simm.s32 $0x200;
	s21 =	simm.s32 $0x0;
	[sflag:s16] =	ssyncadd.s32 $0xFFFFD800  }
.LBB2_4:
0x36: {  	p0 =	sne.s32 s20, $0x9E00;
	[tilespmem:s21+$0x4000] =	vst v1;
	s21 =	smov.u32 s20;
	s20 =	sadd.s32 $0x200, s20  }
.Ltmp1:
0x37: {  	(pc) =	sbr.rel @p0 .LBB2_4-.Ltmp1, $2  }
0x38: {  	_ =	sdelay $0x2  }
0x39: {  	s21 =	sshra.s32 s21, $0x2  }
0x3a: {  	[tilespmem:s21+$0x4000] =	vst v1  }
0x3b: {  	s20 =	simm.s32 $0x0;
	[bflag:$0x0] =	sbarrier.arrive $0xFFFF  }
0x3c: {  	[tilespmem:s20], [sflag:$0x1] =	stream.linear.gather [hbm4b:s12+s20], $0x3E80, $0x38;
	[tilespmem:$0x9000] =	vst v63  }
0x3d: {  	_ =	swait.ge [sflag:s16], $0x3E80  }
0x3e: {  	[sflag:s16] =	ssyncset.done $0x0  }
0x3f: {  	s31 =	simm.s32 $0x0;
	[sflag:s16] =	ssyncadd.s32 $0xFFFFC180  }
0x40: {  	[spmem:s1] =	stream.indirect.scatter.add.f32 [tilespmem:s15], [sflag:$0x1], $0x10, s31, s17, $0xb8;
	[tilespmem:$0x9000] =	vst v63  }
0x41: {  	_ =	swait.ge [sflag:s16], $0x500  }
0x42: {  	s20 =	simm.s32 $0x200;
	[sflag:s16] =	ssyncset.done $0x0  }
.LBB2_6:
0x43: {  	s21 =	sshra.s32 s20, $0x2;
	[sflag:s16] =	ssyncadd.s32 $0xFFFFFB00;
	p0 =	sne.s32 s20, $0xF800  }
0x44: {  	[spmem:s1] =	stream.indirect.scatter.add.f32 [tilespmem:s15], [sflag:$0x1], $0x10, s21, s17, $0xb8;
	[tilespmem:$0x9000] =	vst v63  }
.Ltmp2:
0x45: {  	_ = 	snop;
	(pc) =	sbr.rel @p0 .LBB2_6-.Ltmp2, $4  }
0x46: {  	_ = 	snop  }
0x47: {  	s20 =	sadd.s32 $0x200, s20  }
0x48: {  	_ =	swait.ge [sflag:s16], $0x500  }
0x49: {  	[sflag:s16] =	ssyncset.done $0x0  }
0x4a: {  	s3 =	sadd.s32 $0x1, s3  }
0x4b: {  	[sflag:s16] =	ssyncadd.s32 $0xFFFFFB00;
	p0 =	sne.s32 s3, s14  }
.Ltmp3:
0x4c: {  	[bflag:$0x0] =	sbarrier.arrive $0xFFFF;
	(pc) =	sbr.rel @p0 .LBB2_1-.Ltmp3, $4  }
0x4d: {  	[hbm:s13], [sflag:s18] =	dma.local [spmem:s19], $0x2800  }
0x4e: {  	_ =	swait.ge [sflag:s16], $0x2800  }
0x4f: {  	[sflag:s16] =	ssyncset.done $0x0  }
0x50: {  	[sflag:s16] =	ssyncadd.s32 $0xFFFFD800  }
0x51: {  	_ =	sfence.sel $0x180000  }
0x52: {  	[bflag:$0x0] =	sbarrier.arrive $0xFFFF  }
0x53: {  	p0 =	sne.s32 s2, $0x0;
	_ =	strace $0x90000047  }
0x54: {  	s0 =	sadd.s32 @!p0 $0x100000, s0;
	[bflag:$0x2] =	sbarrier.arrive $0xFFFF  }
0x55: {  	[sflag:s0] =	ssyncadd.tile.s32 @!p0 $0x1;
	_ =	shalt  }
.Lfunc_end2:
_tile_overlayer_lowered:
.L_overlay_start_2:
0x56: {  	(tag) =	ssettag $0x2  }
0x57: {  	s0 =	rddreg [dreg:$0x0];
	s2 =	stileid.u32  }
0x58: {  	s1 =	rddreg [dreg:$0x1];
	p0 =	sne.s32 s2, $0x0  }
0x59: {  	s3 =	rddreg [dreg:$0x2];
	[bflag:$0x3] =	sbarrier.arrive $0xFFFF;
	s2 =	simm.s32 @!p0 $0x1C01  }
0x5a: {  	[timem:s3], [sflag:s2] =	dma.local @!p0 [hbm:s0], s1  }
0x5b: {  	s0 =	simm.s32 @!p0 $0x1  }
0x5c: {  	_ =	swait.ge @!p0 [sflag:s0], s1  }
0x5d: {  	s1 =	ssub.s32 @!p0 $0x0, s1;
	[sflag:s0] =	ssyncset.done @!p0 $0x0  }
0x5e: {  	[sflag:s0] =	ssyncadd.s32 @!p0 s1  }
0x5f: {  	[bflag:$0x3] =	sbarrier.arrive $0xFFFF  }
0x60: {  	_ =	shalt  }

</sc_bundles>
